<compile_context>
chip_gen: v7x
topology: tpu7x:2x2x1
jax: 0.10.2.dev20260603
libtpu: 0.0.44.dev20260713+nightly
codegen_flags: <defaults>
</compile_context>

<pallas_src>
import functools

import jax
import jax.numpy as jnp
from jax import lax
from jax.experimental import pallas as pl
from jax.experimental.pallas import tpu as pltpu
from jax.experimental.pallas import tpu_sc as plsc

D = 128
NW = 32
CHUNK = 128
K = 3
NBUF = 2 * K


@functools.lru_cache(maxsize=None)
def _build(B, V):
    b_per_w = B // NW
    n_chunks = b_per_w // CHUNK
    assert n_chunks >= 2 * NBUF
    mesh = plsc.VectorSubcoreMesh(core_axis_name="c", subcore_axis_name="s")

    @functools.partial(
        pl.kernel,
        mesh=mesh,
        out_type=jax.ShapeDtypeStruct((B, D), jnp.float32),
        scratch_types=[
            pltpu.VMEM((n_chunks, CHUNK), jnp.int32),
            pltpu.VMEM((NBUF, CHUNK, D), jnp.float32),
        ]
        + [pltpu.SemaphoreType.DMA] * (2 * NBUF),
    )
    def body(idx_hbm, table_hbm, out_hbm, idx_v, rows_v, *sems):
        gs, ws = sems[:NBUF], sems[NBUF:]
        cid = lax.axis_index("c")
        sid = lax.axis_index("s")
        wid = sid * 2 + cid
        base = wid * b_per_w
        pltpu.sync_copy(idx_hbm.at[wid], idx_v)

        def gather(c, b):
            return pltpu.make_async_copy(
                table_hbm.at[idx_v.at[c]], rows_v.at[b], gs[b])

        def write(c, b):
            return pltpu.make_async_copy(
                rows_v.at[b], out_hbm.at[pl.ds(base + c * CHUNK, CHUNK)],
                ws[b])

        for c in range(K):
            gather(c, c).start()
        for c in range(K):
            gather(c, c).wait()
            write(c, c).start()
            gather(c + K, (c + K) % NBUF).start()

        def slot(c, b):
            gather(c, b).wait()
            write(c, b).start()
            nb = (b + K) % NBUF
            write(c - K, nb).wait()
            gather(c + K, nb).start()

        n_steady = n_chunks - 2 * K
        n_groups, n_rem = divmod(n_steady, NBUF)

        def group(g, carry):
            for b_off in range(NBUF):
                slot(K + g * NBUF + b_off, (K + b_off) % NBUF)
            return carry

        lax.fori_loop(0, n_groups, group, 0, unroll=False)
        for c in range(K + n_groups * NBUF, K + n_steady):
            slot(c, c % NBUF)

        for c in range(n_chunks - K, n_chunks):
            b = c % NBUF
            gather(c, b).wait()
            write(c, b).start()
        for c in range(n_chunks - NBUF, n_chunks):
            write(c, c % NBUF).wait()

    return body


def kernel(input_sentence, embedding_table):
    batch, hist = input_sentence.shape
    B = batch * hist
    idx = input_sentence.astype(jnp.int32).reshape(NW, (B // NW) // CHUNK, CHUNK)
    out = _build(B, embedding_table.shape[0])(idx, embedding_table)
    return out.reshape(batch, hist, D)

# --- scband reference (transcript-rebuilt; emitter-appended) ---
"""Pipeline reference for scband-word-embedding-23665269801238 (READ-ONLY COPY).

The authoritative reference and input builder live on the scoring server;
editing this copy changes nothing except your own understanding.
"""

import jax, jax.numpy as jnp
import numpy as np

VOCAB = 100000
EMBED_DIM = 128
BATCH = 4096
HIST = 200

def setup_inputs(seed: int = 0) -> dict:
    key = jax.random.key(seed)
    k_idx, k_tab = jax.random.split(key)
    input_sentence = jax.random.randint(k_idx, (BATCH, HIST), 0, VOCAB, dtype=jnp.int64 if jax.config.jax_enable_x64 else jnp.int32)
    embedding_table = jax.random.normal(k_tab, (VOCAB, EMBED_DIM), dtype=jnp.float32)
    return {"input_sentence": input_sentence, "embedding_table": embedding_table}

def reference(input_sentence, embedding_table):
    # nn.Embedding lookup: gather rows of the table by index
    sen_embed = jnp.take(embedding_table, input_sentence, axis=0)
    return sen_embed

if __name__ == "__main__":
    import jax
    _d = setup_inputs()
    print(jax.jit(kernel)(*tuple(_d.values())))

</pallas_src>

<mosaic_0001>
#map = affine_map<(d0, d1) -> (0, 0, 0)>
#map1 = affine_map<(d0, d1) -> (0, 0)>
module attributes {stable_mosaic.version = 14 : i64} {
  func.func @body(%arg0: i32, %arg1: i32, %arg2: memref<32x200x128xi32, #tpu.memory_space<hbm>>, %arg3: memref<100000x128xf32, #tpu.memory_space<hbm>>, %arg4: memref<819200x128xf32, #tpu.memory_space<hbm>>, %arg5: memref<200x128xi32, #tpu.memory_space<vmem>>, %arg6: memref<6x128x128xf32, #tpu.memory_space<vmem>>, %arg7: memref<!tpu.dma_semaphore, #tpu.memory_space<semaphore_mem>>, %arg8: memref<!tpu.dma_semaphore, #tpu.memory_space<semaphore_mem>>, %arg9: memref<!tpu.dma_semaphore, #tpu.memory_space<semaphore_mem>>, %arg10: memref<!tpu.dma_semaphore, #tpu.memory_space<semaphore_mem>>, %arg11: memref<!tpu.dma_semaphore, #tpu.memory_space<semaphore_mem>>, %arg12: memref<!tpu.dma_semaphore, #tpu.memory_space<semaphore_mem>>, %arg13: memref<!tpu.dma_semaphore, #tpu.memory_space<semaphore_mem>>, %arg14: memref<!tpu.dma_semaphore, #tpu.memory_space<semaphore_mem>>, %arg15: memref<!tpu.dma_semaphore, #tpu.memory_space<semaphore_mem>>, %arg16: memref<!tpu.dma_semaphore, #tpu.memory_space<semaphore_mem>>, %arg17: memref<!tpu.dma_semaphore, #tpu.memory_space<semaphore_mem>>, %arg18: memref<!tpu.dma_semaphore, #tpu.memory_space<semaphore_mem>>) attributes {dimension_semantics = [#tpu.dimension_semantics<core_parallel>, #tpu.dimension_semantics<subcore_parallel>], iteration_bounds = array<i64: 2, 16>, scalar_prefetch = 0 : i64, scratch_operands = 14 : i64, tpu.core_type = #tpu.core_type<sc_vector_subcore>, window_params = [{transform_indices = #map}, {transform_indices = #map1}, {transform_indices = #map1}]} {
    %mul3A = arith.constant 2 : i32
    %mul3A_0 = arith.muli %arg1, %mul3A : i32
    %add3A = arith.addi %mul3A_0, %arg0 : i32
    %mul3A_1 = arith.constant 25600 : i32
    %mul3A_2 = arith.muli %add3A, %mul3A_1 : i32
    "tpu.region"() ({
      %run_scoped3A = tpu.sem_alloc : memref<!tpu.dma_semaphore, #tpu.memory_space<semaphore_mem>>
      %dma_start3A_438 = arith.constant 0 : i32
      %dma_start3A_439 = arith.constant 0 : i32
      %dma_start3A_440 = tpu.memref_slice %arg2[%add3A, %dma_start3A_438, %dma_start3A_439] : memref<32x200x128xi32, #tpu.memory_space<hbm>> -> memref<1x200x128xi32, #tpu.memory_space<hbm>>
      %dma_start3A_441 = tpu.memref_squeeze %dma_start3A_440 : memref<1x200x128xi32, #tpu.memory_space<hbm>> -> memref<200x128xi32, #tpu.memory_space<hbm>>
      %dma_start3A_442 = arith.constant 0 : i32
      %dma_start3A_443 = arith.constant 0 : i32
      %dma_start3A_444 = tpu.memref_slice %arg2[%add3A, %dma_start3A_442, %dma_start3A_443] : memref<32x200x128xi32, #tpu.memory_space<hbm>> -> memref<1x200x128xi32, #tpu.memory_space<hbm>>
      %dma_start3A_445 = tpu.memref_squeeze %dma_start3A_444 : memref<1x200x128xi32, #tpu.memory_space<hbm>> -> memref<200x128xi32, #tpu.memory_space<hbm>>
      tpu.enqueue_dma source(%dma_start3A_445 : memref<200x128xi32, #tpu.memory_space<hbm>>) target(%arg5 : memref<200x128xi32, #tpu.memory_space<vmem>>) target_semaphore(%run_scoped3A : memref<!tpu.dma_semaphore, #tpu.memory_space<semaphore_mem>>)
      %dma_wait3A_446 = arith.constant 0 : i32
      %dma_wait3A_447 = arith.constant 0 : i32
      %dma_wait3A_448 = tpu.memref_slice %arg2[%add3A, %dma_wait3A_446, %dma_wait3A_447] : memref<32x200x128xi32, #tpu.memory_space<hbm>> -> memref<1x200x128xi32, #tpu.memory_space<hbm>>
      %dma_wait3A_449 = tpu.memref_squeeze %dma_wait3A_448 : memref<1x200x128xi32, #tpu.memory_space<hbm>> -> memref<200x128xi32, #tpu.memory_space<hbm>>
      %dma_wait3A_450 = arith.constant 0 : i32
      %dma_wait3A_451 = arith.constant 0 : i32
      %dma_wait3A_452 = tpu.memref_slice %arg2[%add3A, %dma_wait3A_450, %dma_wait3A_451] : memref<32x200x128xi32, #tpu.memory_space<hbm>> -> memref<1x200x128xi32, #tpu.memory_space<hbm>>
      %dma_wait3A_453 = tpu.memref_squeeze %dma_wait3A_452 : memref<1x200x128xi32, #tpu.memory_space<hbm>> -> memref<200x128xi32, #tpu.memory_space<hbm>>
      tpu.wait_dma2 semaphore(%run_scoped3A : memref<!tpu.dma_semaphore, #tpu.memory_space<semaphore_mem>>) src(%dma_wait3A_453 : memref<200x128xi32, #tpu.memory_space<hbm>>) dst(%arg5 : memref<200x128xi32, #tpu.memory_space<vmem>>)
      tpu.yield
    }) : () -> ()
    %dma_start3A = arith.constant 0 : i32
    %dma_start3A_3 = arith.constant 0 : i32
    %dma_start3A_4 = arith.constant 0 : i32
    %dma_start3A_5 = arith.constant 0 : i32
    %dma_start3A_6 = tpu.memref_slice %arg6[%dma_start3A_3, %dma_start3A_4, %dma_start3A_5] : memref<6x128x128xf32, #tpu.memory_space<vmem>> -> memref<1x128x128xf32, #tpu.memory_space<vmem>>
    %dma_start3A_7 = tpu.memref_squeeze %dma_start3A_6 : memref<1x128x128xf32, #tpu.memory_space<vmem>> -> memref<128x128xf32, #tpu.memory_space<vmem>>
    %dma_start3A_8 = arith.constant 0 : i32
    %dma_start3A_9 = tpu.memref_slice %arg5[%dma_start3A, %dma_start3A_8] : memref<200x128xi32, #tpu.memory_space<vmem>> -> memref<1x128xi32, #tpu.memory_space<vmem>>
    %dma_start3A_10 = tpu.memref_squeeze %dma_start3A_9 : memref<1x128xi32, #tpu.memory_space<vmem>> -> memref<128xi32, #tpu.memory_space<vmem>>
    %dma_start3A_11 = arith.constant 0 : i32
    %dma_start3A_12 = arith.constant 0 : i32
    %dma_start3A_13 = tpu.memref_slice %arg3[%dma_start3A_11, %dma_start3A_12] : memref<100000x128xf32, #tpu.memory_space<hbm>> -> memref<100000x128xf32, #tpu.memory_space<hbm>>
    tpu.enqueue_indirect_dma source(%dma_start3A_13 : memref<100000x128xf32, #tpu.memory_space<hbm>>) target(%dma_start3A_7 : memref<128x128xf32, #tpu.memory_space<vmem>>) offsets(%dma_start3A_10 : memref<128xi32, #tpu.memory_space<vmem>>) semaphore(%arg7 : memref<!tpu.dma_semaphore, #tpu.memory_space<semaphore_mem>>)
    %dma_start3A_14 = arith.constant 1 : i32
    %dma_start3A_15 = arith.constant 1 : i32
    %dma_start3A_16 = arith.constant 0 : i32
    %dma_start3A_17 = arith.constant 0 : i32
    %dma_start3A_18 = tpu.memref_slice %arg6[%dma_start3A_15, %dma_start3A_16, %dma_start3A_17] : memref<6x128x128xf32, #tpu.memory_space<vmem>> -> memref<1x128x128xf32, #tpu.memory_space<vmem>>
    %dma_start3A_19 = tpu.memref_squeeze %dma_start3A_18 : memref<1x128x128xf32, #tpu.memory_space<vmem>> -> memref<128x128xf32, #tpu.memory_space<vmem>>
    %dma_start3A_20 = arith.constant 0 : i32
    %dma_start3A_21 = tpu.memref_slice %arg5[%dma_start3A_14, %dma_start3A_20] : memref<200x128xi32, #tpu.memory_space<vmem>> -> memref<1x128xi32, #tpu.memory_space<vmem>>
    %dma_start3A_22 = tpu.memref_squeeze %dma_start3A_21 : memref<1x128xi32, #tpu.memory_space<vmem>> -> memref<128xi32, #tpu.memory_space<vmem>>
    %dma_start3A_23 = arith.constant 0 : i32
    %dma_start3A_24 = arith.constant 0 : i32
    %dma_start3A_25 = tpu.memref_slice %arg3[%dma_start3A_23, %dma_start3A_24] : memref<100000x128xf32, #tpu.memory_space<hbm>> -> memref<100000x128xf32, #tpu.memory_space<hbm>>
    tpu.enqueue_indirect_dma source(%dma_start3A_25 : memref<100000x128xf32, #tpu.memory_space<hbm>>) target(%dma_start3A_19 : memref<128x128xf32, #tpu.memory_space<vmem>>) offsets(%dma_start3A_22 : memref<128xi32, #tpu.memory_space<vmem>>) semaphore(%arg8 : memref<!tpu.dma_semaphore, #tpu.memory_space<semaphore_mem>>)
    %dma_start3A_26 = arith.constant 2 : i32
    %dma_start3A_27 = arith.constant 2 : i32
    %dma_start3A_28 = arith.constant 0 : i32
    %dma_start3A_29 = arith.constant 0 : i32
    %dma_start3A_30 = tpu.memref_slice %arg6[%dma_start3A_27, %dma_start3A_28, %dma_start3A_29] : memref<6x128x128xf32, #tpu.memory_space<vmem>> -> memref<1x128x128xf32, #tpu.memory_space<vmem>>
    %dma_start3A_31 = tpu.memref_squeeze %dma_start3A_30 : memref<1x128x128xf32, #tpu.memory_space<vmem>> -> memref<128x128xf32, #tpu.memory_space<vmem>>
    %dma_start3A_32 = arith.constant 0 : i32
    %dma_start3A_33 = tpu.memref_slice %arg5[%dma_start3A_26, %dma_start3A_32] : memref<200x128xi32, #tpu.memory_space<vmem>> -> memref<1x128xi32, #tpu.memory_space<vmem>>
    %dma_start3A_34 = tpu.memref_squeeze %dma_start3A_33 : memref<1x128xi32, #tpu.memory_space<vmem>> -> memref<128xi32, #tpu.memory_space<vmem>>
    %dma_start3A_35 = arith.constant 0 : i32
    %dma_start3A_36 = arith.constant 0 : i32
    %dma_start3A_37 = tpu.memref_slice %arg3[%dma_start3A_35, %dma_start3A_36] : memref<100000x128xf32, #tpu.memory_space<hbm>> -> memref<100000x128xf32, #tpu.memory_space<hbm>>
    tpu.enqueue_indirect_dma source(%dma_start3A_37 : memref<100000x128xf32, #tpu.memory_space<hbm>>) target(%dma_start3A_31 : memref<128x128xf32, #tpu.memory_space<vmem>>) offsets(%dma_start3A_34 : memref<128xi32, #tpu.memory_space<vmem>>) semaphore(%arg9 : memref<!tpu.dma_semaphore, #tpu.memory_space<semaphore_mem>>)
    %dma_wait3A = arith.constant 0 : i32
    %dma_wait3A_38 = arith.constant 0 : i32
    %dma_wait3A_39 = arith.constant 0 : i32
    %dma_wait3A_40 = arith.constant 0 : i32
    %dma_wait3A_41 = tpu.memref_slice %arg6[%dma_wait3A_38, %dma_wait3A_39, %dma_wait3A_40] : memref<6x128x128xf32, #tpu.memory_space<vmem>> -> memref<1x128x128xf32, #tpu.memory_space<vmem>>
    %dma_wait3A_42 = tpu.memref_squeeze %dma_wait3A_41 : memref<1x128x128xf32, #tpu.memory_space<vmem>> -> memref<128x128xf32, #tpu.memory_space<vmem>>
    %dma_wait3A_43 = arith.constant 0 : i32
    %dma_wait3A_44 = tpu.memref_slice %arg5[%dma_wait3A, %dma_wait3A_43] : memref<200x128xi32, #tpu.memory_space<vmem>> -> memref<1x128xi32, #tpu.memory_space<vmem>>
    %dma_wait3A_45 = tpu.memref_squeeze %dma_wait3A_44 : memref<1x128xi32, #tpu.memory_space<vmem>> -> memref<128xi32, #tpu.memory_space<vmem>>
    %dma_wait3A_46 = arith.constant 0 : i32
    %dma_wait3A_47 = arith.constant 0 : i32
    %dma_wait3A_48 = tpu.memref_slice %arg3[%dma_wait3A_46, %dma_wait3A_47] : memref<100000x128xf32, #tpu.memory_space<hbm>> -> memref<100000x128xf32, #tpu.memory_space<hbm>>
    tpu.wait_indirect_dma semaphore(%arg7 : memref<!tpu.dma_semaphore, #tpu.memory_space<semaphore_mem>>) src(%dma_wait3A_48 : memref<100000x128xf32, #tpu.memory_space<hbm>>) dst(%dma_wait3A_42 : memref<128x128xf32, #tpu.memory_space<vmem>>)
    %add3A_49 = arith.constant 0 : i32
    %add3A_50 = arith.addi %mul3A_2, %add3A_49 : i32
    %dma_start3A_51 = arith.constant 0 : i32
    %dma_start3A_52 = arith.constant 0 : i32
    %dma_start3A_53 = arith.constant 0 : i32
    %dma_start3A_54 = tpu.memref_slice %arg6[%dma_start3A_51, %dma_start3A_52, %dma_start3A_53] : memref<6x128x128xf32, #tpu.memory_space<vmem>> -> memref<1x128x128xf32, #tpu.memory_space<vmem>>
    %dma_start3A_55 = tpu.memref_squeeze %dma_start3A_54 : memref<1x128x128xf32, #tpu.memory_space<vmem>> -> memref<128x128xf32, #tpu.memory_space<vmem>>
    %dma_start3A_56 = arith.constant 0 : i32
    %dma_start3A_57 = tpu.memref_slice %arg4[%add3A_50, %dma_start3A_56] : memref<819200x128xf32, #tpu.memory_space<hbm>> -> memref<128x128xf32, #tpu.memory_space<hbm>>
    %dma_start3A_58 = arith.constant 0 : i32
    %dma_start3A_59 = tpu.memref_slice %arg4[%add3A_50, %dma_start3A_58] : memref<819200x128xf32, #tpu.memory_space<hbm>> -> memref<128x128xf32, #tpu.memory_space<hbm>>
    %dma_start3A_60 = arith.constant 0 : i32
    %dma_start3A_61 = arith.constant 0 : i32
    %dma_start3A_62 = tpu.memref_slice %arg6[%dma_start3A_51, %dma_start3A_60, %dma_start3A_61] : memref<6x128x128xf32, #tpu.memory_space<vmem>> -> memref<1x128x128xf32, #tpu.memory_space<vmem>>
    %dma_start3A_63 = tpu.memref_squeeze %dma_start3A_62 : memref<1x128x128xf32, #tpu.memory_space<vmem>> -> memref<128x128xf32, #tpu.memory_space<vmem>>
    tpu.enqueue_dma source(%dma_start3A_63 : memref<128x128xf32, #tpu.memory_space<vmem>>) target(%dma_start3A_59 : memref<128x128xf32, #tpu.memory_space<hbm>>) target_semaphore(%arg13 : memref<!tpu.dma_semaphore, #tpu.memory_space<semaphore_mem>>)
    %dma_start3A_64 = arith.constant 3 : i32
    %dma_start3A_65 = arith.constant 3 : i32
    %dma_start3A_66 = arith.constant 0 : i32
    %dma_start3A_67 = arith.constant 0 : i32
    %dma_start3A_68 = tpu.memref_slice %arg6[%dma_start3A_65, %dma_start3A_66, %dma_start3A_67] : memref<6x128x128xf32, #tpu.memory_space<vmem>> -> memref<1x128x128xf32, #tpu.memory_space<vmem>>
    %dma_start3A_69 = tpu.memref_squeeze %dma_start3A_68 : memref<1x128x128xf32, #tpu.memory_space<vmem>> -> memref<128x128xf32, #tpu.memory_space<vmem>>
    %dma_start3A_70 = arith.constant 0 : i32
    %dma_start3A_71 = tpu.memref_slice %arg5[%dma_start3A_64, %dma_start3A_70] : memref<200x128xi32, #tpu.memory_space<vmem>> -> memref<1x128xi32, #tpu.memory_space<vmem>>
    %dma_start3A_72 = tpu.memref_squeeze %dma_start3A_71 : memref<1x128xi32, #tpu.memory_space<vmem>> -> memref<128xi32, #tpu.memory_space<vmem>>
    %dma_start3A_73 = arith.constant 0 : i32
    %dma_start3A_74 = arith.constant 0 : i32
    %dma_start3A_75 = tpu.memref_slice %arg3[%dma_start3A_73, %dma_start3A_74] : memref<100000x128xf32, #tpu.memory_space<hbm>> -> memref<100000x128xf32, #tpu.memory_space<hbm>>
    tpu.enqueue_indirect_dma source(%dma_start3A_75 : memref<100000x128xf32, #tpu.memory_space<hbm>>) target(%dma_start3A_69 : memref<128x128xf32, #tpu.memory_space<vmem>>) offsets(%dma_start3A_72 : memref<128xi32, #tpu.memory_space<vmem>>) semaphore(%arg10 : memref<!tpu.dma_semaphore, #tpu.memory_space<semaphore_mem>>)
    %dma_wait3A_76 = arith.constant 1 : i32
    %dma_wait3A_77 = arith.constant 1 : i32
    %dma_wait3A_78 = arith.constant 0 : i32
    %dma_wait3A_79 = arith.constant 0 : i32
    %dma_wait3A_80 = tpu.memref_slice %arg6[%dma_wait3A_77, %dma_wait3A_78, %dma_wait3A_79] : memref<6x128x128xf32, #tpu.memory_space<vmem>> -> memref<1x128x128xf32, #tpu.memory_space<vmem>>
    %dma_wait3A_81 = tpu.memref_squeeze %dma_wait3A_80 : memref<1x128x128xf32, #tpu.memory_space<vmem>> -> memref<128x128xf32, #tpu.memory_space<vmem>>
    %dma_wait3A_82 = arith.constant 0 : i32
    %dma_wait3A_83 = tpu.memref_slice %arg5[%dma_wait3A_76, %dma_wait3A_82] : memref<200x128xi32, #tpu.memory_space<vmem>> -> memref<1x128xi32, #tpu.memory_space<vmem>>
    %dma_wait3A_84 = tpu.memref_squeeze %dma_wait3A_83 : memref<1x128xi32, #tpu.memory_space<vmem>> -> memref<128xi32, #tpu.memory_space<vmem>>
    %dma_wait3A_85 = arith.constant 0 : i32
    %dma_wait3A_86 = arith.constant 0 : i32
    %dma_wait3A_87 = tpu.memref_slice %arg3[%dma_wait3A_85, %dma_wait3A_86] : memref<100000x128xf32, #tpu.memory_space<hbm>> -> memref<100000x128xf32, #tpu.memory_space<hbm>>
    tpu.wait_indirect_dma semaphore(%arg8 : memref<!tpu.dma_semaphore, #tpu.memory_space<semaphore_mem>>) src(%dma_wait3A_87 : memref<100000x128xf32, #tpu.memory_space<hbm>>) dst(%dma_wait3A_81 : memref<128x128xf32, #tpu.memory_space<vmem>>)
    %add3A_88 = arith.constant 128 : i32
    %add3A_89 = arith.addi %mul3A_2, %add3A_88 : i32
    %dma_start3A_90 = arith.constant 1 : i32
    %dma_start3A_91 = arith.constant 0 : i32
    %dma_start3A_92 = arith.constant 0 : i32
    %dma_start3A_93 = tpu.memref_slice %arg6[%dma_start3A_90, %dma_start3A_91, %dma_start3A_92] : memref<6x128x128xf32, #tpu.memory_space<vmem>> -> memref<1x128x128xf32, #tpu.memory_space<vmem>>
    %dma_start3A_94 = tpu.memref_squeeze %dma_start3A_93 : memref<1x128x128xf32, #tpu.memory_space<vmem>> -> memref<128x128xf32, #tpu.memory_space<vmem>>
    %dma_start3A_95 = arith.constant 0 : i32
    %dma_start3A_96 = tpu.memref_slice %arg4[%add3A_89, %dma_start3A_95] : memref<819200x128xf32, #tpu.memory_space<hbm>> -> memref<128x128xf32, #tpu.memory_space<hbm>>
    %dma_start3A_97 = arith.constant 0 : i32
    %dma_start3A_98 = tpu.memref_slice %arg4[%add3A_89, %dma_start3A_97] : memref<819200x128xf32, #tpu.memory_space<hbm>> -> memref<128x128xf32, #tpu.memory_space<hbm>>
    %dma_start3A_99 = arith.constant 0 : i32
    %dma_start3A_100 = arith.constant 0 : i32
    %dma_start3A_101 = tpu.memref_slice %arg6[%dma_start3A_90, %dma_start3A_99, %dma_start3A_100] : memref<6x128x128xf32, #tpu.memory_space<vmem>> -> memref<1x128x128xf32, #tpu.memory_space<vmem>>
    %dma_start3A_102 = tpu.memref_squeeze %dma_start3A_101 : memref<1x128x128xf32, #tpu.memory_space<vmem>> -> memref<128x128xf32, #tpu.memory_space<vmem>>
    tpu.enqueue_dma source(%dma_start3A_102 : memref<128x128xf32, #tpu.memory_space<vmem>>) target(%dma_start3A_98 : memref<128x128xf32, #tpu.memory_space<hbm>>) target_semaphore(%arg14 : memref<!tpu.dma_semaphore, #tpu.memory_space<semaphore_mem>>)
    %dma_start3A_103 = arith.constant 4 : i32
    %dma_start3A_104 = arith.constant 4 : i32
    %dma_start3A_105 = arith.constant 0 : i32
    %dma_start3A_106 = arith.constant 0 : i32
    %dma_start3A_107 = tpu.memref_slice %arg6[%dma_start3A_104, %dma_start3A_105, %dma_start3A_106] : memref<6x128x128xf32, #tpu.memory_space<vmem>> -> memref<1x128x128xf32, #tpu.memory_space<vmem>>
    %dma_start3A_108 = tpu.memref_squeeze %dma_start3A_107 : memref<1x128x128xf32, #tpu.memory_space<vmem>> -> memref<128x128xf32, #tpu.memory_space<vmem>>
    %dma_start3A_109 = arith.constant 0 : i32
    %dma_start3A_110 = tpu.memref_slice %arg5[%dma_start3A_103, %dma_start3A_109] : memref<200x128xi32, #tpu.memory_space<vmem>> -> memref<1x128xi32, #tpu.memory_space<vmem>>
    %dma_start3A_111 = tpu.memref_squeeze %dma_start3A_110 : memref<1x128xi32, #tpu.memory_space<vmem>> -> memref<128xi32, #tpu.memory_space<vmem>>
    %dma_start3A_112 = arith.constant 0 : i32
    %dma_start3A_113 = arith.constant 0 : i32
    %dma_start3A_114 = tpu.memref_slice %arg3[%dma_start3A_112, %dma_start3A_113] : memref<100000x128xf32, #tpu.memory_space<hbm>> -> memref<100000x128xf32, #tpu.memory_space<hbm>>
    tpu.enqueue_indirect_dma source(%dma_start3A_114 : memref<100000x128xf32, #tpu.memory_space<hbm>>) target(%dma_start3A_108 : memref<128x128xf32, #tpu.memory_space<vmem>>) offsets(%dma_start3A_111 : memref<128xi32, #tpu.memory_space<vmem>>) semaphore(%arg11 : memref<!tpu.dma_semaphore, #tpu.memory_space<semaphore_mem>>)
    %dma_wait3A_115 = arith.constant 2 : i32
    %dma_wait3A_116 = arith.constant 2 : i32
    %dma_wait3A_117 = arith.constant 0 : i32
    %dma_wait3A_118 = arith.constant 0 : i32
    %dma_wait3A_119 = tpu.memref_slice %arg6[%dma_wait3A_116, %dma_wait3A_117, %dma_wait3A_118] : memref<6x128x128xf32, #tpu.memory_space<vmem>> -> memref<1x128x128xf32, #tpu.memory_space<vmem>>
    %dma_wait3A_120 = tpu.memref_squeeze %dma_wait3A_119 : memref<1x128x128xf32, #tpu.memory_space<vmem>> -> memref<128x128xf32, #tpu.memory_space<vmem>>
    %dma_wait3A_121 = arith.constant 0 : i32
    %dma_wait3A_122 = tpu.memref_slice %arg5[%dma_wait3A_115, %dma_wait3A_121] : memref<200x128xi32, #tpu.memory_space<vmem>> -> memref<1x128xi32, #tpu.memory_space<vmem>>
    %dma_wait3A_123 = tpu.memref_squeeze %dma_wait3A_122 : memref<1x128xi32, #tpu.memory_space<vmem>> -> memref<128xi32, #tpu.memory_space<vmem>>
    %dma_wait3A_124 = arith.constant 0 : i32
    %dma_wait3A_125 = arith.constant 0 : i32
    %dma_wait3A_126 = tpu.memref_slice %arg3[%dma_wait3A_124, %dma_wait3A_125] : memref<100000x128xf32, #tpu.memory_space<hbm>> -> memref<100000x128xf32, #tpu.memory_space<hbm>>
    tpu.wait_indirect_dma semaphore(%arg9 : memref<!tpu.dma_semaphore, #tpu.memory_space<semaphore_mem>>) src(%dma_wait3A_126 : memref<100000x128xf32, #tpu.memory_space<hbm>>) dst(%dma_wait3A_120 : memref<128x128xf32, #tpu.memory_space<vmem>>)
    %add3A_127 = arith.constant 256 : i32
    %add3A_128 = arith.addi %mul3A_2, %add3A_127 : i32
    %dma_start3A_129 = arith.constant 2 : i32
    %dma_start3A_130 = arith.constant 0 : i32
    %dma_start3A_131 = arith.constant 0 : i32
    %dma_start3A_132 = tpu.memref_slice %arg6[%dma_start3A_129, %dma_start3A_130, %dma_start3A_131] : memref<6x128x128xf32, #tpu.memory_space<vmem>> -> memref<1x128x128xf32, #tpu.memory_space<vmem>>
    %dma_start3A_133 = tpu.memref_squeeze %dma_start3A_132 : memref<1x128x128xf32, #tpu.memory_space<vmem>> -> memref<128x128xf32, #tpu.memory_space<vmem>>
    %dma_start3A_134 = arith.constant 0 : i32
    %dma_start3A_135 = tpu.memref_slice %arg4[%add3A_128, %dma_start3A_134] : memref<819200x128xf32, #tpu.memory_space<hbm>> -> memref<128x128xf32, #tpu.memory_space<hbm>>
    %dma_start3A_136 = arith.constant 0 : i32
    %dma_start3A_137 = tpu.memref_slice %arg4[%add3A_128, %dma_start3A_136] : memref<819200x128xf32, #tpu.memory_space<hbm>> -> memref<128x128xf32, #tpu.memory_space<hbm>>
    %dma_start3A_138 = arith.constant 0 : i32
    %dma_start3A_139 = arith.constant 0 : i32
    %dma_start3A_140 = tpu.memref_slice %arg6[%dma_start3A_129, %dma_start3A_138, %dma_start3A_139] : memref<6x128x128xf32, #tpu.memory_space<vmem>> -> memref<1x128x128xf32, #tpu.memory_space<vmem>>
    %dma_start3A_141 = tpu.memref_squeeze %dma_start3A_140 : memref<1x128x128xf32, #tpu.memory_space<vmem>> -> memref<128x128xf32, #tpu.memory_space<vmem>>
    tpu.enqueue_dma source(%dma_start3A_141 : memref<128x128xf32, #tpu.memory_space<vmem>>) target(%dma_start3A_137 : memref<128x128xf32, #tpu.memory_space<hbm>>) target_semaphore(%arg15 : memref<!tpu.dma_semaphore, #tpu.memory_space<semaphore_mem>>)
    %dma_start3A_142 = arith.constant 5 : i32
    %dma_start3A_143 = arith.constant 5 : i32
    %dma_start3A_144 = arith.constant 0 : i32
    %dma_start3A_145 = arith.constant 0 : i32
    %dma_start3A_146 = tpu.memref_slice %arg6[%dma_start3A_143, %dma_start3A_144, %dma_start3A_145] : memref<6x128x128xf32, #tpu.memory_space<vmem>> -> memref<1x128x128xf32, #tpu.memory_space<vmem>>
    %dma_start3A_147 = tpu.memref_squeeze %dma_start3A_146 : memref<1x128x128xf32, #tpu.memory_space<vmem>> -> memref<128x128xf32, #tpu.memory_space<vmem>>
    %dma_start3A_148 = arith.constant 0 : i32
    %dma_start3A_149 = tpu.memref_slice %arg5[%dma_start3A_142, %dma_start3A_148] : memref<200x128xi32, #tpu.memory_space<vmem>> -> memref<1x128xi32, #tpu.memory_space<vmem>>
    %dma_start3A_150 = tpu.memref_squeeze %dma_start3A_149 : memref<1x128xi32, #tpu.memory_space<vmem>> -> memref<128xi32, #tpu.memory_space<vmem>>
    %dma_start3A_151 = arith.constant 0 : i32
    %dma_start3A_152 = arith.constant 0 : i32
    %dma_start3A_153 = tpu.memref_slice %arg3[%dma_start3A_151, %dma_start3A_152] : memref<100000x128xf32, #tpu.memory_space<hbm>> -> memref<100000x128xf32, #tpu.memory_space<hbm>>
    tpu.enqueue_indirect_dma source(%dma_start3A_153 : memref<100000x128xf32, #tpu.memory_space<hbm>>) target(%dma_start3A_147 : memref<128x128xf32, #tpu.memory_space<vmem>>) offsets(%dma_start3A_150 : memref<128xi32, #tpu.memory_space<vmem>>) semaphore(%arg12 : memref<!tpu.dma_semaphore, #tpu.memory_space<semaphore_mem>>)
    %scan3A = arith.constant 0 : i32
    %scan3A_154 = arith.constant 0 : i32
    %scan3A_155 = arith.constant 32 : i32
    %scan3A_156 = arith.addi %scan3A_154, %scan3A_155 : i32
    %scan3A_157 = arith.constant 1 : i32
    scf.for %scan3A_438 = %scan3A_154 to %scan3A_156 step %scan3A_157  : i32 {
      %mul3A_439 = arith.constant 6 : i32
      %mul3A_440 = arith.muli %scan3A_438, %mul3A_439 : i32
      %add3A_441 = arith.constant 3 : i32
      %add3A_442 = arith.addi %add3A_441, %mul3A_440 : i32
      %add3A_443 = arith.constant 0 : i32
      %add3A_444 = arith.addi %add3A_442, %add3A_443 : i32
      %dma_wait3A_445 = arith.constant 3 : i32
      %dma_wait3A_446 = arith.constant 0 : i32
      %dma_wait3A_447 = arith.constant 0 : i32
      %dma_wait3A_448 = tpu.memref_slice %arg6[%dma_wait3A_445, %dma_wait3A_446, %dma_wait3A_447] : memref<6x128x128xf32, #tpu.memory_space<vmem>> -> memref<1x128x128xf32, #tpu.memory_space<vmem>>
      %dma_wait3A_449 = tpu.memref_squeeze %dma_wait3A_448 : memref<1x128x128xf32, #tpu.memory_space<vmem>> -> memref<128x128xf32, #tpu.memory_space<vmem>>
      %dma_wait3A_450 = arith.constant 0 : i32
      %dma_wait3A_451 = tpu.memref_slice %arg5[%add3A_444, %dma_wait3A_450] : memref<200x128xi32, #tpu.memory_space<vmem>> -> memref<1x128xi32, #tpu.memory_space<vmem>>
      %dma_wait3A_452 = tpu.memref_squeeze %dma_wait3A_451 : memref<1x128xi32, #tpu.memory_space<vmem>> -> memref<128xi32, #tpu.memory_space<vmem>>
      %dma_wait3A_453 = arith.constant 0 : i32
      %dma_wait3A_454 = arith.constant 0 : i32
      %dma_wait3A_455 = tpu.memref_slice %arg3[%dma_wait3A_453, %dma_wait3A_454] : memref<100000x128xf32, #tpu.memory_space<hbm>> -> memref<100000x128xf32, #tpu.memory_space<hbm>>
      tpu.wait_indirect_dma semaphore(%arg10 : memref<!tpu.dma_semaphore, #tpu.memory_space<semaphore_mem>>) src(%dma_wait3A_455 : memref<100000x128xf32, #tpu.memory_space<hbm>>) dst(%dma_wait3A_449 : memref<128x128xf32, #tpu.memory_space<vmem>>)
      %mul3A_456 = arith.constant 128 : i32
      %mul3A_457 = arith.muli %add3A_444, %mul3A_456 : i32
      %add3A_458 = arith.addi %mul3A_2, %mul3A_457 : i32
      %dma_start3A_459 = arith.constant 3 : i32
      %dma_start3A_460 = arith.constant 0 : i32
      %dma_start3A_461 = arith.constant 0 : i32
      %dma_start3A_462 = tpu.memref_slice %arg6[%dma_start3A_459, %dma_start3A_460, %dma_start3A_461] : memref<6x128x128xf32, #tpu.memory_space<vmem>> -> memref<1x128x128xf32, #tpu.memory_space<vmem>>
      %dma_start3A_463 = tpu.memref_squeeze %dma_start3A_462 : memref<1x128x128xf32, #tpu.memory_space<vmem>> -> memref<128x128xf32, #tpu.memory_space<vmem>>
      %dma_start3A_464 = arith.constant 0 : i32
      %dma_start3A_465 = tpu.memref_slice %arg4[%add3A_458, %dma_start3A_464] : memref<819200x128xf32, #tpu.memory_space<hbm>> -> memref<128x128xf32, #tpu.memory_space<hbm>>
      %dma_start3A_466 = arith.constant 0 : i32
      %dma_start3A_467 = tpu.memref_slice %arg4[%add3A_458, %dma_start3A_466] : memref<819200x128xf32, #tpu.memory_space<hbm>> -> memref<128x128xf32, #tpu.memory_space<hbm>>
      %dma_start3A_468 = arith.constant 0 : i32
      %dma_start3A_469 = arith.constant 0 : i32
      %dma_start3A_470 = tpu.memref_slice %arg6[%dma_start3A_459, %dma_start3A_468, %dma_start3A_469] : memref<6x128x128xf32, #tpu.memory_space<vmem>> -> memref<1x128x128xf32, #tpu.memory_space<vmem>>
      %dma_start3A_471 = tpu.memref_squeeze %dma_start3A_470 : memref<1x128x128xf32, #tpu.memory_space<vmem>> -> memref<128x128xf32, #tpu.memory_space<vmem>>
      tpu.enqueue_dma source(%dma_start3A_471 : memref<128x128xf32, #tpu.memory_space<vmem>>) target(%dma_start3A_467 : memref<128x128xf32, #tpu.memory_space<hbm>>) target_semaphore(%arg16 : memref<!tpu.dma_semaphore, #tpu.memory_space<semaphore_mem>>)
      %sub3A = arith.constant 3 : i32
      %sub3A_472 = arith.subi %add3A_444, %sub3A : i32
      %mul3A_473 = arith.constant 128 : i32
      %mul3A_474 = arith.muli %sub3A_472, %mul3A_473 : i32
      %add3A_475 = arith.addi %mul3A_2, %mul3A_474 : i32
      %dma_wait3A_476 = arith.constant 0 : i32
      %dma_wait3A_477 = arith.constant 0 : i32
      %dma_wait3A_478 = arith.constant 0 : i32
      %dma_wait3A_479 = tpu.memref_slice %arg6[%dma_wait3A_476, %dma_wait3A_477, %dma_wait3A_478] : memref<6x128x128xf32, #tpu.memory_space<vmem>> -> memref<1x128x128xf32, #tpu.memory_space<vmem>>
      %dma_wait3A_480 = tpu.memref_squeeze %dma_wait3A_479 : memref<1x128x128xf32, #tpu.memory_space<vmem>> -> memref<128x128xf32, #tpu.memory_space<vmem>>
      %dma_wait3A_481 = arith.constant 0 : i32
      %dma_wait3A_482 = tpu.memref_slice %arg4[%add3A_475, %dma_wait3A_481] : memref<819200x128xf32, #tpu.memory_space<hbm>> -> memref<128x128xf32, #tpu.memory_space<hbm>>
      %dma_wait3A_483 = arith.constant 0 : i32
      %dma_wait3A_484 = tpu.memref_slice %arg4[%add3A_475, %dma_wait3A_483] : memref<819200x128xf32, #tpu.memory_space<hbm>> -> memref<128x128xf32, #tpu.memory_space<hbm>>
      %dma_wait3A_485 = arith.constant 0 : i32
      %dma_wait3A_486 = arith.constant 0 : i32
      %dma_wait3A_487 = tpu.memref_slice %arg6[%dma_wait3A_476, %dma_wait3A_485, %dma_wait3A_486] : memref<6x128x128xf32, #tpu.memory_space<vmem>> -> memref<1x128x128xf32, #tpu.memory_space<vmem>>
      %dma_wait3A_488 = tpu.memref_squeeze %dma_wait3A_487 : memref<1x128x128xf32, #tpu.memory_space<vmem>> -> memref<128x128xf32, #tpu.memory_space<vmem>>
      tpu.wait_dma2 semaphore(%arg13 : memref<!tpu.dma_semaphore, #tpu.memory_space<semaphore_mem>>) src(%dma_wait3A_488 : memref<128x128xf32, #tpu.memory_space<vmem>>) dst(%dma_wait3A_484 : memref<128x128xf32, #tpu.memory_space<hbm>>)
      %add3A_489 = arith.constant 3 : i32
      %add3A_490 = arith.addi %add3A_444, %add3A_489 : i32
      %dma_start3A_491 = arith.constant 0 : i32
      %dma_start3A_492 = arith.constant 0 : i32
      %dma_start3A_493 = arith.constant 0 : i32
      %dma_start3A_494 = tpu.memref_slice %arg6[%dma_start3A_491, %dma_start3A_492, %dma_start3A_493] : memref<6x128x128xf32, #tpu.memory_space<vmem>> -> memref<1x128x128xf32, #tpu.memory_space<vmem>>
      %dma_start3A_495 = tpu.memref_squeeze %dma_start3A_494 : memref<1x128x128xf32, #tpu.memory_space<vmem>> -> memref<128x128xf32, #tpu.memory_space<vmem>>
      %dma_start3A_496 = arith.constant 0 : i32
      %dma_start3A_497 = tpu.memref_slice %arg5[%add3A_490, %dma_start3A_496] : memref<200x128xi32, #tpu.memory_space<vmem>> -> memref<1x128xi32, #tpu.memory_space<vmem>>
      %dma_start3A_498 = tpu.memref_squeeze %dma_start3A_497 : memref<1x128xi32, #tpu.memory_space<vmem>> -> memref<128xi32, #tpu.memory_space<vmem>>
      %dma_start3A_499 = arith.constant 0 : i32
      %dma_start3A_500 = arith.constant 0 : i32
      %dma_start3A_501 = tpu.memref_slice %arg3[%dma_start3A_499, %dma_start3A_500] : memref<100000x128xf32, #tpu.memory_space<hbm>> -> memref<100000x128xf32, #tpu.memory_space<hbm>>
      tpu.enqueue_indirect_dma source(%dma_start3A_501 : memref<100000x128xf32, #tpu.memory_space<hbm>>) target(%dma_start3A_495 : memref<128x128xf32, #tpu.memory_space<vmem>>) offsets(%dma_start3A_498 : memref<128xi32, #tpu.memory_space<vmem>>) semaphore(%arg7 : memref<!tpu.dma_semaphore, #tpu.memory_space<semaphore_mem>>)
      %mul3A_502 = arith.constant 6 : i32
      %mul3A_503 = arith.muli %scan3A_438, %mul3A_502 : i32
      %add3A_504 = arith.constant 3 : i32
      %add3A_505 = arith.addi %add3A_504, %mul3A_503 : i32
      %add3A_506 = arith.constant 1 : i32
      %add3A_507 = arith.addi %add3A_505, %add3A_506 : i32
      %dma_wait3A_508 = arith.constant 4 : i32
      %dma_wait3A_509 = arith.constant 0 : i32
      %dma_wait3A_510 = arith.constant 0 : i32
      %dma_wait3A_511 = tpu.memref_slice %arg6[%dma_wait3A_508, %dma_wait3A_509, %dma_wait3A_510] : memref<6x128x128xf32, #tpu.memory_space<vmem>> -> memref<1x128x128xf32, #tpu.memory_space<vmem>>
      %dma_wait3A_512 = tpu.memref_squeeze %dma_wait3A_511 : memref<1x128x128xf32, #tpu.memory_space<vmem>> -> memref<128x128xf32, #tpu.memory_space<vmem>>
      %dma_wait3A_513 = arith.constant 0 : i32
      %dma_wait3A_514 = tpu.memref_slice %arg5[%add3A_507, %dma_wait3A_513] : memref<200x128xi32, #tpu.memory_space<vmem>> -> memref<1x128xi32, #tpu.memory_space<vmem>>
      %dma_wait3A_515 = tpu.memref_squeeze %dma_wait3A_514 : memref<1x128xi32, #tpu.memory_space<vmem>> -> memref<128xi32, #tpu.memory_space<vmem>>
      %dma_wait3A_516 = arith.constant 0 : i32
      %dma_wait3A_517 = arith.constant 0 : i32
      %dma_wait3A_518 = tpu.memref_slice %arg3[%dma_wait3A_516, %dma_wait3A_517] : memref<100000x128xf32, #tpu.memory_space<hbm>> -> memref<100000x128xf32, #tpu.memory_space<hbm>>
      tpu.wait_indirect_dma semaphore(%arg11 : memref<!tpu.dma_semaphore, #tpu.memory_space<semaphore_mem>>) src(%dma_wait3A_518 : memref<100000x128xf32, #tpu.memory_space<hbm>>) dst(%dma_wait3A_512 : memref<128x128xf32, #tpu.memory_space<vmem>>)
      %mul3A_519 = arith.constant 128 : i32
      %mul3A_520 = arith.muli %add3A_507, %mul3A_519 : i32
      %add3A_521 = arith.addi %mul3A_2, %mul3A_520 : i32
      %dma_start3A_522 = arith.constant 4 : i32
      %dma_start3A_523 = arith.constant 0 : i32
      %dma_start3A_524 = arith.constant 0 : i32
      %dma_start3A_525 = tpu.memref_slice %arg6[%dma_start3A_522, %dma_start3A_523, %dma_start3A_524] : memref<6x128x128xf32, #tpu.memory_space<vmem>> -> memref<1x128x128xf32, #tpu.memory_space<vmem>>
      %dma_start3A_526 = tpu.memref_squeeze %dma_start3A_525 : memref<1x128x128xf32, #tpu.memory_space<vmem>> -> memref<128x128xf32, #tpu.memory_space<vmem>>
      %dma_start3A_527 = arith.constant 0 : i32
      %dma_start3A_528 = tpu.memref_slice %arg4[%add3A_521, %dma_start3A_527] : memref<819200x128xf32, #tpu.memory_space<hbm>> -> memref<128x128xf32, #tpu.memory_space<hbm>>
      %dma_start3A_529 = arith.constant 0 : i32
      %dma_start3A_530 = tpu.memref_slice %arg4[%add3A_521, %dma_start3A_529] : memref<819200x128xf32, #tpu.memory_space<hbm>> -> memref<128x128xf32, #tpu.memory_space<hbm>>
      %dma_start3A_531 = arith.constant 0 : i32
      %dma_start3A_532 = arith.constant 0 : i32
      %dma_start3A_533 = tpu.memref_slice %arg6[%dma_start3A_522, %dma_start3A_531, %dma_start3A_532] : memref<6x128x128xf32, #tpu.memory_space<vmem>> -> memref<1x128x128xf32, #tpu.memory_space<vmem>>
      %dma_start3A_534 = tpu.memref_squeeze %dma_start3A_533 : memref<1x128x128xf32, #tpu.memory_space<vmem>> -> memref<128x128xf32, #tpu.memory_space<vmem>>
      tpu.enqueue_dma source(%dma_start3A_534 : memref<128x128xf32, #tpu.memory_space<vmem>>) target(%dma_start3A_530 : memref<128x128xf32, #tpu.memory_space<hbm>>) target_semaphore(%arg17 : memref<!tpu.dma_semaphore, #tpu.memory_space<semaphore_mem>>)
      %sub3A_535 = arith.constant 3 : i32
      %sub3A_536 = arith.subi %add3A_507, %sub3A_535 : i32
      %mul3A_537 = arith.constant 128 : i32
      %mul3A_538 = arith.muli %sub3A_536, %mul3A_537 : i32
      %add3A_539 = arith.addi %mul3A_2, %mul3A_538 : i32
      %dma_wait3A_540 = arith.constant 1 : i32
      %dma_wait3A_541 = arith.constant 0 : i32
      %dma_wait3A_542 = arith.constant 0 : i32
      %dma_wait3A_543 = tpu.memref_slice %arg6[%dma_wait3A_540, %dma_wait3A_541, %dma_wait3A_542] : memref<6x128x128xf32, #tpu.memory_space<vmem>> -> memref<1x128x128xf32, #tpu.memory_space<vmem>>
      %dma_wait3A_544 = tpu.memref_squeeze %dma_wait3A_543 : memref<1x128x128xf32, #tpu.memory_space<vmem>> -> memref<128x128xf32, #tpu.memory_space<vmem>>
      %dma_wait3A_545 = arith.constant 0 : i32
      %dma_wait3A_546 = tpu.memref_slice %arg4[%add3A_539, %dma_wait3A_545] : memref<819200x128xf32, #tpu.memory_space<hbm>> -> memref<128x128xf32, #tpu.memory_space<hbm>>
      %dma_wait3A_547 = arith.constant 0 : i32
      %dma_wait3A_548 = tpu.memref_slice %arg4[%add3A_539, %dma_wait3A_547] : memref<819200x128xf32, #tpu.memory_space<hbm>> -> memref<128x128xf32, #tpu.memory_space<hbm>>
      %dma_wait3A_549 = arith.constant 0 : i32
      %dma_wait3A_550 = arith.constant 0 : i32
      %dma_wait3A_551 = tpu.memref_slice %arg6[%dma_wait3A_540, %dma_wait3A_549, %dma_wait3A_550] : memref<6x128x128xf32, #tpu.memory_space<vmem>> -> memref<1x128x128xf32, #tpu.memory_space<vmem>>
      %dma_wait3A_552 = tpu.memref_squeeze %dma_wait3A_551 : memref<1x128x128xf32, #tpu.memory_space<vmem>> -> memref<128x128xf32, #tpu.memory_space<vmem>>
      tpu.wait_dma2 semaphore(%arg14 : memref<!tpu.dma_semaphore, #tpu.memory_space<semaphore_mem>>) src(%dma_wait3A_552 : memref<128x128xf32, #tpu.memory_space<vmem>>) dst(%dma_wait3A_548 : memref<128x128xf32, #tpu.memory_space<hbm>>)
      %add3A_553 = arith.constant 3 : i32
      %add3A_554 = arith.addi %add3A_507, %add3A_553 : i32
      %dma_start3A_555 = arith.constant 1 : i32
      %dma_start3A_556 = arith.constant 0 : i32
      %dma_start3A_557 = arith.constant 0 : i32
      %dma_start3A_558 = tpu.memref_slice %arg6[%dma_start3A_555, %dma_start3A_556, %dma_start3A_557] : memref<6x128x128xf32, #tpu.memory_space<vmem>> -> memref<1x128x128xf32, #tpu.memory_space<vmem>>
      %dma_start3A_559 = tpu.memref_squeeze %dma_start3A_558 : memref<1x128x128xf32, #tpu.memory_space<vmem>> -> memref<128x128xf32, #tpu.memory_space<vmem>>
      %dma_start3A_560 = arith.constant 0 : i32
      %dma_start3A_561 = tpu.memref_slice %arg5[%add3A_554, %dma_start3A_560] : memref<200x128xi32, #tpu.memory_space<vmem>> -> memref<1x128xi32, #tpu.memory_space<vmem>>
      %dma_start3A_562 = tpu.memref_squeeze %dma_start3A_561 : memref<1x128xi32, #tpu.memory_space<vmem>> -> memref<128xi32, #tpu.memory_space<vmem>>
      %dma_start3A_563 = arith.constant 0 : i32
      %dma_start3A_564 = arith.constant 0 : i32
      %dma_start3A_565 = tpu.memref_slice %arg3[%dma_start3A_563, %dma_start3A_564] : memref<100000x128xf32, #tpu.memory_space<hbm>> -> memref<100000x128xf32, #tpu.memory_space<hbm>>
      tpu.enqueue_indirect_dma source(%dma_start3A_565 : memref<100000x128xf32, #tpu.memory_space<hbm>>) target(%dma_start3A_559 : memref<128x128xf32, #tpu.memory_space<vmem>>) offsets(%dma_start3A_562 : memref<128xi32, #tpu.memory_space<vmem>>) semaphore(%arg8 : memref<!tpu.dma_semaphore, #tpu.memory_space<semaphore_mem>>)
      %mul3A_566 = arith.constant 6 : i32
      %mul3A_567 = arith.muli %scan3A_438, %mul3A_566 : i32
      %add3A_568 = arith.constant 3 : i32
      %add3A_569 = arith.addi %add3A_568, %mul3A_567 : i32
      %add3A_570 = arith.constant 2 : i32
      %add3A_571 = arith.addi %add3A_569, %add3A_570 : i32
      %dma_wait3A_572 = arith.constant 5 : i32
      %dma_wait3A_573 = arith.constant 0 : i32
      %dma_wait3A_574 = arith.constant 0 : i32
      %dma_wait3A_575 = tpu.memref_slice %arg6[%dma_wait3A_572, %dma_wait3A_573, %dma_wait3A_574] : memref<6x128x128xf32, #tpu.memory_space<vmem>> -> memref<1x128x128xf32, #tpu.memory_space<vmem>>
      %dma_wait3A_576 = tpu.memref_squeeze %dma_wait3A_575 : memref<1x128x128xf32, #tpu.memory_space<vmem>> -> memref<128x128xf32, #tpu.memory_space<vmem>>
      %dma_wait3A_577 = arith.constant 0 : i32
      %dma_wait3A_578 = tpu.memref_slice %arg5[%add3A_571, %dma_wait3A_577] : memref<200x128xi32, #tpu.memory_space<vmem>> -> memref<1x128xi32, #tpu.memory_space<vmem>>
      %dma_wait3A_579 = tpu.memref_squeeze %dma_wait3A_578 : memref<1x128xi32, #tpu.memory_space<vmem>> -> memref<128xi32, #tpu.memory_space<vmem>>
      %dma_wait3A_580 = arith.constant 0 : i32
      %dma_wait3A_581 = arith.constant 0 : i32
      %dma_wait3A_582 = tpu.memref_slice %arg3[%dma_wait3A_580, %dma_wait3A_581] : memref<100000x128xf32, #tpu.memory_space<hbm>> -> memref<100000x128xf32, #tpu.memory_space<hbm>>
      tpu.wait_indirect_dma semaphore(%arg12 : memref<!tpu.dma_semaphore, #tpu.memory_space<semaphore_mem>>) src(%dma_wait3A_582 : memref<100000x128xf32, #tpu.memory_space<hbm>>) dst(%dma_wait3A_576 : memref<128x128xf32, #tpu.memory_space<vmem>>)
      %mul3A_583 = arith.constant 128 : i32
      %mul3A_584 = arith.muli %add3A_571, %mul3A_583 : i32
      %add3A_585 = arith.addi %mul3A_2, %mul3A_584 : i32
      %dma_start3A_586 = arith.constant 5 : i32
      %dma_start3A_587 = arith.constant 0 : i32
      %dma_start3A_588 = arith.constant 0 : i32
      %dma_start3A_589 = tpu.memref_slice %arg6[%dma_start3A_586, %dma_start3A_587, %dma_start3A_588] : memref<6x128x128xf32, #tpu.memory_space<vmem>> -> memref<1x128x128xf32, #tpu.memory_space<vmem>>
      %dma_start3A_590 = tpu.memref_squeeze %dma_start3A_589 : memref<1x128x128xf32, #tpu.memory_space<vmem>> -> memref<128x128xf32, #tpu.memory_space<vmem>>
      %dma_start3A_591 = arith.constant 0 : i32
      %dma_start3A_592 = tpu.memref_slice %arg4[%add3A_585, %dma_start3A_591] : memref<819200x128xf32, #tpu.memory_space<hbm>> -> memref<128x128xf32, #tpu.memory_space<hbm>>
      %dma_start3A_593 = arith.constant 0 : i32
      %dma_start3A_594 = tpu.memref_slice %arg4[%add3A_585, %dma_start3A_593] : memref<819200x128xf32, #tpu.memory_space<hbm>> -> memref<128x128xf32, #tpu.memory_space<hbm>>
      %dma_start3A_595 = arith.constant 0 : i32
      %dma_start3A_596 = arith.constant 0 : i32
      %dma_start3A_597 = tpu.memref_slice %arg6[%dma_start3A_586, %dma_start3A_595, %dma_start3A_596] : memref<6x128x128xf32, #tpu.memory_space<vmem>> -> memref<1x128x128xf32, #tpu.memory_space<vmem>>
      %dma_start3A_598 = tpu.memref_squeeze %dma_start3A_597 : memref<1x128x128xf32, #tpu.memory_space<vmem>> -> memref<128x128xf32, #tpu.memory_space<vmem>>
      tpu.enqueue_dma source(%dma_start3A_598 : memref<128x128xf32, #tpu.memory_space<vmem>>) target(%dma_start3A_594 : memref<128x128xf32, #tpu.memory_space<hbm>>) target_semaphore(%arg18 : memref<!tpu.dma_semaphore, #tpu.memory_space<semaphore_mem>>)
      %sub3A_599 = arith.constant 3 : i32
      %sub3A_600 = arith.subi %add3A_571, %sub3A_599 : i32
      %mul3A_601 = arith.constant 128 : i32
      %mul3A_602 = arith.muli %sub3A_600, %mul3A_601 : i32
      %add3A_603 = arith.addi %mul3A_2, %mul3A_602 : i32
      %dma_wait3A_604 = arith.constant 2 : i32
      %dma_wait3A_605 = arith.constant 0 : i32
      %dma_wait3A_606 = arith.constant 0 : i32
      %dma_wait3A_607 = tpu.memref_slice %arg6[%dma_wait3A_604, %dma_wait3A_605, %dma_wait3A_606] : memref<6x128x128xf32, #tpu.memory_space<vmem>> -> memref<1x128x128xf32, #tpu.memory_space<vmem>>
      %dma_wait3A_608 = tpu.memref_squeeze %dma_wait3A_607 : memref<1x128x128xf32, #tpu.memory_space<vmem>> -> memref<128x128xf32, #tpu.memory_space<vmem>>
      %dma_wait3A_609 = arith.constant 0 : i32
      %dma_wait3A_610 = tpu.memref_slice %arg4[%add3A_603, %dma_wait3A_609] : memref<819200x128xf32, #tpu.memory_space<hbm>> -> memref<128x128xf32, #tpu.memory_space<hbm>>
      %dma_wait3A_611 = arith.constant 0 : i32
      %dma_wait3A_612 = tpu.memref_slice %arg4[%add3A_603, %dma_wait3A_611] : memref<819200x128xf32, #tpu.memory_space<hbm>> -> memref<128x128xf32, #tpu.memory_space<hbm>>
      %dma_wait3A_613 = arith.constant 0 : i32
      %dma_wait3A_614 = arith.constant 0 : i32
      %dma_wait3A_615 = tpu.memref_slice %arg6[%dma_wait3A_604, %dma_wait3A_613, %dma_wait3A_614] : memref<6x128x128xf32, #tpu.memory_space<vmem>> -> memref<1x128x128xf32, #tpu.memory_space<vmem>>
      %dma_wait3A_616 = tpu.memref_squeeze %dma_wait3A_615 : memref<1x128x128xf32, #tpu.memory_space<vmem>> -> memref<128x128xf32, #tpu.memory_space<vmem>>
      tpu.wait_dma2 semaphore(%arg15 : memref<!tpu.dma_semaphore, #tpu.memory_space<semaphore_mem>>) src(%dma_wait3A_616 : memref<128x128xf32, #tpu.memory_space<vmem>>) dst(%dma_wait3A_612 : memref<128x128xf32, #tpu.memory_space<hbm>>)
      %add3A_617 = arith.constant 3 : i32
      %add3A_618 = arith.addi %add3A_571, %add3A_617 : i32
      %dma_start3A_619 = arith.constant 2 : i32
      %dma_start3A_620 = arith.constant 0 : i32
      %dma_start3A_621 = arith.constant 0 : i32
      %dma_start3A_622 = tpu.memref_slice %arg6[%dma_start3A_619, %dma_start3A_620, %dma_start3A_621] : memref<6x128x128xf32, #tpu.memory_space<vmem>> -> memref<1x128x128xf32, #tpu.memory_space<vmem>>
      %dma_start3A_623 = tpu.memref_squeeze %dma_start3A_622 : memref<1x128x128xf32, #tpu.memory_space<vmem>> -> memref<128x128xf32, #tpu.memory_space<vmem>>
      %dma_start3A_624 = arith.constant 0 : i32
      %dma_start3A_625 = tpu.memref_slice %arg5[%add3A_618, %dma_start3A_624] : memref<200x128xi32, #tpu.memory_space<vmem>> -> memref<1x128xi32, #tpu.memory_space<vmem>>
      %dma_start3A_626 = tpu.memref_squeeze %dma_start3A_625 : memref<1x128xi32, #tpu.memory_space<vmem>> -> memref<128xi32, #tpu.memory_space<vmem>>
      %dma_start3A_627 = arith.constant 0 : i32
      %dma_start3A_628 = arith.constant 0 : i32
      %dma_start3A_629 = tpu.memref_slice %arg3[%dma_start3A_627, %dma_start3A_628] : memref<100000x128xf32, #tpu.memory_space<hbm>> -> memref<100000x128xf32, #tpu.memory_space<hbm>>
      tpu.enqueue_indirect_dma source(%dma_start3A_629 : memref<100000x128xf32, #tpu.memory_space<hbm>>) target(%dma_start3A_623 : memref<128x128xf32, #tpu.memory_space<vmem>>) offsets(%dma_start3A_626 : memref<128xi32, #tpu.memory_space<vmem>>) semaphore(%arg9 : memref<!tpu.dma_semaphore, #tpu.memory_space<semaphore_mem>>)
      %mul3A_630 = arith.constant 6 : i32
      %mul3A_631 = arith.muli %scan3A_438, %mul3A_630 : i32
      %add3A_632 = arith.constant 3 : i32
      %add3A_633 = arith.addi %add3A_632, %mul3A_631 : i32
      %add3A_634 = arith.constant 3 : i32
      %add3A_635 = arith.addi %add3A_633, %add3A_634 : i32
      %dma_wait3A_636 = arith.constant 0 : i32
      %dma_wait3A_637 = arith.constant 0 : i32
      %dma_wait3A_638 = arith.constant 0 : i32
      %dma_wait3A_639 = tpu.memref_slice %arg6[%dma_wait3A_636, %dma_wait3A_637, %dma_wait3A_638] : memref<6x128x128xf32, #tpu.memory_space<vmem>> -> memref<1x128x128xf32, #tpu.memory_space<vmem>>
      %dma_wait3A_640 = tpu.memref_squeeze %dma_wait3A_639 : memref<1x128x128xf32, #tpu.memory_space<vmem>> -> memref<128x128xf32, #tpu.memory_space<vmem>>
      %dma_wait3A_641 = arith.constant 0 : i32
      %dma_wait3A_642 = tpu.memref_slice %arg5[%add3A_635, %dma_wait3A_641] : memref<200x128xi32, #tpu.memory_space<vmem>> -> memref<1x128xi32, #tpu.memory_space<vmem>>
      %dma_wait3A_643 = tpu.memref_squeeze %dma_wait3A_642 : memref<1x128xi32, #tpu.memory_space<vmem>> -> memref<128xi32, #tpu.memory_space<vmem>>
      %dma_wait3A_644 = arith.constant 0 : i32
      %dma_wait3A_645 = arith.constant 0 : i32
      %dma_wait3A_646 = tpu.memref_slice %arg3[%dma_wait3A_644, %dma_wait3A_645] : memref<100000x128xf32, #tpu.memory_space<hbm>> -> memref<100000x128xf32, #tpu.memory_space<hbm>>
      tpu.wait_indirect_dma semaphore(%arg7 : memref<!tpu.dma_semaphore, #tpu.memory_space<semaphore_mem>>) src(%dma_wait3A_646 : memref<100000x128xf32, #tpu.memory_space<hbm>>) dst(%dma_wait3A_640 : memref<128x128xf32, #tpu.memory_space<vmem>>)
      %mul3A_647 = arith.constant 128 : i32
      %mul3A_648 = arith.muli %add3A_635, %mul3A_647 : i32
      %add3A_649 = arith.addi %mul3A_2, %mul3A_648 : i32
      %dma_start3A_650 = arith.constant 0 : i32
      %dma_start3A_651 = arith.constant 0 : i32
      %dma_start3A_652 = arith.constant 0 : i32
      %dma_start3A_653 = tpu.memref_slice %arg6[%dma_start3A_650, %dma_start3A_651, %dma_start3A_652] : memref<6x128x128xf32, #tpu.memory_space<vmem>> -> memref<1x128x128xf32, #tpu.memory_space<vmem>>
      %dma_start3A_654 = tpu.memref_squeeze %dma_start3A_653 : memref<1x128x128xf32, #tpu.memory_space<vmem>> -> memref<128x128xf32, #tpu.memory_space<vmem>>
      %dma_start3A_655 = arith.constant 0 : i32
      %dma_start3A_656 = tpu.memref_slice %arg4[%add3A_649, %dma_start3A_655] : memref<819200x128xf32, #tpu.memory_space<hbm>> -> memref<128x128xf32, #tpu.memory_space<hbm>>
      %dma_start3A_657 = arith.constant 0 : i32
      %dma_start3A_658 = tpu.memref_slice %arg4[%add3A_649, %dma_start3A_657] : memref<819200x128xf32, #tpu.memory_space<hbm>> -> memref<128x128xf32, #tpu.memory_space<hbm>>
      %dma_start3A_659 = arith.constant 0 : i32
      %dma_start3A_660 = arith.constant 0 : i32
      %dma_start3A_661 = tpu.memref_slice %arg6[%dma_start3A_650, %dma_start3A_659, %dma_start3A_660] : memref<6x128x128xf32, #tpu.memory_space<vmem>> -> memref<1x128x128xf32, #tpu.memory_space<vmem>>
      %dma_start3A_662 = tpu.memref_squeeze %dma_start3A_661 : memref<1x128x128xf32, #tpu.memory_space<vmem>> -> memref<128x128xf32, #tpu.memory_space<vmem>>
      tpu.enqueue_dma source(%dma_start3A_662 : memref<128x128xf32, #tpu.memory_space<vmem>>) target(%dma_start3A_658 : memref<128x128xf32, #tpu.memory_space<hbm>>) target_semaphore(%arg13 : memref<!tpu.dma_semaphore, #tpu.memory_space<semaphore_mem>>)
      %sub3A_663 = arith.constant 3 : i32
      %sub3A_664 = arith.subi %add3A_635, %sub3A_663 : i32
      %mul3A_665 = arith.constant 128 : i32
      %mul3A_666 = arith.muli %sub3A_664, %mul3A_665 : i32
      %add3A_667 = arith.addi %mul3A_2, %mul3A_666 : i32
      %dma_wait3A_668 = arith.constant 3 : i32
      %dma_wait3A_669 = arith.constant 0 : i32
      %dma_wait3A_670 = arith.constant 0 : i32
      %dma_wait3A_671 = tpu.memref_slice %arg6[%dma_wait3A_668, %dma_wait3A_669, %dma_wait3A_670] : memref<6x128x128xf32, #tpu.memory_space<vmem>> -> memref<1x128x128xf32, #tpu.memory_space<vmem>>
      %dma_wait3A_672 = tpu.memref_squeeze %dma_wait3A_671 : memref<1x128x128xf32, #tpu.memory_space<vmem>> -> memref<128x128xf32, #tpu.memory_space<vmem>>
      %dma_wait3A_673 = arith.constant 0 : i32
      %dma_wait3A_674 = tpu.memref_slice %arg4[%add3A_667, %dma_wait3A_673] : memref<819200x128xf32, #tpu.memory_space<hbm>> -> memref<128x128xf32, #tpu.memory_space<hbm>>
      %dma_wait3A_675 = arith.constant 0 : i32
      %dma_wait3A_676 = tpu.memref_slice %arg4[%add3A_667, %dma_wait3A_675] : memref<819200x128xf32, #tpu.memory_space<hbm>> -> memref<128x128xf32, #tpu.memory_space<hbm>>
      %dma_wait3A_677 = arith.constant 0 : i32
      %dma_wait3A_678 = arith.constant 0 : i32
      %dma_wait3A_679 = tpu.memref_slice %arg6[%dma_wait3A_668, %dma_wait3A_677, %dma_wait3A_678] : memref<6x128x128xf32, #tpu.memory_space<vmem>> -> memref<1x128x128xf32, #tpu.memory_space<vmem>>
      %dma_wait3A_680 = tpu.memref_squeeze %dma_wait3A_679 : memref<1x128x128xf32, #tpu.memory_space<vmem>> -> memref<128x128xf32, #tpu.memory_space<vmem>>
      tpu.wait_dma2 semaphore(%arg16 : memref<!tpu.dma_semaphore, #tpu.memory_space<semaphore_mem>>) src(%dma_wait3A_680 : memref<128x128xf32, #tpu.memory_space<vmem>>) dst(%dma_wait3A_676 : memref<128x128xf32, #tpu.memory_space<hbm>>)
      %add3A_681 = arith.constant 3 : i32
      %add3A_682 = arith.addi %add3A_635, %add3A_681 : i32
      %dma_start3A_683 = arith.constant 3 : i32
      %dma_start3A_684 = arith.constant 0 : i32
      %dma_start3A_685 = arith.constant 0 : i32
      %dma_start3A_686 = tpu.memref_slice %arg6[%dma_start3A_683, %dma_start3A_684, %dma_start3A_685] : memref<6x128x128xf32, #tpu.memory_space<vmem>> -> memref<1x128x128xf32, #tpu.memory_space<vmem>>
      %dma_start3A_687 = tpu.memref_squeeze %dma_start3A_686 : memref<1x128x128xf32, #tpu.memory_space<vmem>> -> memref<128x128xf32, #tpu.memory_space<vmem>>
      %dma_start3A_688 = arith.constant 0 : i32
      %dma_start3A_689 = tpu.memref_slice %arg5[%add3A_682, %dma_start3A_688] : memref<200x128xi32, #tpu.memory_space<vmem>> -> memref<1x128xi32, #tpu.memory_space<vmem>>
      %dma_start3A_690 = tpu.memref_squeeze %dma_start3A_689 : memref<1x128xi32, #tpu.memory_space<vmem>> -> memref<128xi32, #tpu.memory_space<vmem>>
      %dma_start3A_691 = arith.constant 0 : i32
      %dma_start3A_692 = arith.constant 0 : i32
      %dma_start3A_693 = tpu.memref_slice %arg3[%dma_start3A_691, %dma_start3A_692] : memref<100000x128xf32, #tpu.memory_space<hbm>> -> memref<100000x128xf32, #tpu.memory_space<hbm>>
      tpu.enqueue_indirect_dma source(%dma_start3A_693 : memref<100000x128xf32, #tpu.memory_space<hbm>>) target(%dma_start3A_687 : memref<128x128xf32, #tpu.memory_space<vmem>>) offsets(%dma_start3A_690 : memref<128xi32, #tpu.memory_space<vmem>>) semaphore(%arg10 : memref<!tpu.dma_semaphore, #tpu.memory_space<semaphore_mem>>)
      %mul3A_694 = arith.constant 6 : i32
      %mul3A_695 = arith.muli %scan3A_438, %mul3A_694 : i32
      %add3A_696 = arith.constant 3 : i32
      %add3A_697 = arith.addi %add3A_696, %mul3A_695 : i32
      %add3A_698 = arith.constant 4 : i32
      %add3A_699 = arith.addi %add3A_697, %add3A_698 : i32
      %dma_wait3A_700 = arith.constant 1 : i32
      %dma_wait3A_701 = arith.constant 0 : i32
      %dma_wait3A_702 = arith.constant 0 : i32
      %dma_wait3A_703 = tpu.memref_slice %arg6[%dma_wait3A_700, %dma_wait3A_701, %dma_wait3A_702] : memref<6x128x128xf32, #tpu.memory_space<vmem>> -> memref<1x128x128xf32, #tpu.memory_space<vmem>>
      %dma_wait3A_704 = tpu.memref_squeeze %dma_wait3A_703 : memref<1x128x128xf32, #tpu.memory_space<vmem>> -> memref<128x128xf32, #tpu.memory_space<vmem>>
      %dma_wait3A_705 = arith.constant 0 : i32
      %dma_wait3A_706 = tpu.memref_slice %arg5[%add3A_699, %dma_wait3A_705] : memref<200x128xi32, #tpu.memory_space<vmem>> -> memref<1x128xi32, #tpu.memory_space<vmem>>
      %dma_wait3A_707 = tpu.memref_squeeze %dma_wait3A_706 : memref<1x128xi32, #tpu.memory_space<vmem>> -> memref<128xi32, #tpu.memory_space<vmem>>
      %dma_wait3A_708 = arith.constant 0 : i32
      %dma_wait3A_709 = arith.constant 0 : i32
      %dma_wait3A_710 = tpu.memref_slice %arg3[%dma_wait3A_708, %dma_wait3A_709] : memref<100000x128xf32, #tpu.memory_space<hbm>> -> memref<100000x128xf32, #tpu.memory_space<hbm>>
      tpu.wait_indirect_dma semaphore(%arg8 : memref<!tpu.dma_semaphore, #tpu.memory_space<semaphore_mem>>) src(%dma_wait3A_710 : memref<100000x128xf32, #tpu.memory_space<hbm>>) dst(%dma_wait3A_704 : memref<128x128xf32, #tpu.memory_space<vmem>>)
      %mul3A_711 = arith.constant 128 : i32
      %mul3A_712 = arith.muli %add3A_699, %mul3A_711 : i32
      %add3A_713 = arith.addi %mul3A_2, %mul3A_712 : i32
      %dma_start3A_714 = arith.constant 1 : i32
      %dma_start3A_715 = arith.constant 0 : i32
      %dma_start3A_716 = arith.constant 0 : i32
      %dma_start3A_717 = tpu.memref_slice %arg6[%dma_start3A_714, %dma_start3A_715, %dma_start3A_716] : memref<6x128x128xf32, #tpu.memory_space<vmem>> -> memref<1x128x128xf32, #tpu.memory_space<vmem>>
      %dma_start3A_718 = tpu.memref_squeeze %dma_start3A_717 : memref<1x128x128xf32, #tpu.memory_space<vmem>> -> memref<128x128xf32, #tpu.memory_space<vmem>>
      %dma_start3A_719 = arith.constant 0 : i32
      %dma_start3A_720 = tpu.memref_slice %arg4[%add3A_713, %dma_start3A_719] : memref<819200x128xf32, #tpu.memory_space<hbm>> -> memref<128x128xf32, #tpu.memory_space<hbm>>
      %dma_start3A_721 = arith.constant 0 : i32
      %dma_start3A_722 = tpu.memref_slice %arg4[%add3A_713, %dma_start3A_721] : memref<819200x128xf32, #tpu.memory_space<hbm>> -> memref<128x128xf32, #tpu.memory_space<hbm>>
      %dma_start3A_723 = arith.constant 0 : i32
      %dma_start3A_724 = arith.constant 0 : i32
      %dma_start3A_725 = tpu.memref_slice %arg6[%dma_start3A_714, %dma_start3A_723, %dma_start3A_724] : memref<6x128x128xf32, #tpu.memory_space<vmem>> -> memref<1x128x128xf32, #tpu.memory_space<vmem>>
      %dma_start3A_726 = tpu.memref_squeeze %dma_start3A_725 : memref<1x128x128xf32, #tpu.memory_space<vmem>> -> memref<128x128xf32, #tpu.memory_space<vmem>>
      tpu.enqueue_dma source(%dma_start3A_726 : memref<128x128xf32, #tpu.memory_space<vmem>>) target(%dma_start3A_722 : memref<128x128xf32, #tpu.memory_space<hbm>>) target_semaphore(%arg14 : memref<!tpu.dma_semaphore, #tpu.memory_space<semaphore_mem>>)
      %sub3A_727 = arith.constant 3 : i32
      %sub3A_728 = arith.subi %add3A_699, %sub3A_727 : i32
      %mul3A_729 = arith.constant 128 : i32
      %mul3A_730 = arith.muli %sub3A_728, %mul3A_729 : i32
      %add3A_731 = arith.addi %mul3A_2, %mul3A_730 : i32
      %dma_wait3A_732 = arith.constant 4 : i32
      %dma_wait3A_733 = arith.constant 0 : i32
      %dma_wait3A_734 = arith.constant 0 : i32
      %dma_wait3A_735 = tpu.memref_slice %arg6[%dma_wait3A_732, %dma_wait3A_733, %dma_wait3A_734] : memref<6x128x128xf32, #tpu.memory_space<vmem>> -> memref<1x128x128xf32, #tpu.memory_space<vmem>>
      %dma_wait3A_736 = tpu.memref_squeeze %dma_wait3A_735 : memref<1x128x128xf32, #tpu.memory_space<vmem>> -> memref<128x128xf32, #tpu.memory_space<vmem>>
      %dma_wait3A_737 = arith.constant 0 : i32
      %dma_wait3A_738 = tpu.memref_slice %arg4[%add3A_731, %dma_wait3A_737] : memref<819200x128xf32, #tpu.memory_space<hbm>> -> memref<128x128xf32, #tpu.memory_space<hbm>>
      %dma_wait3A_739 = arith.constant 0 : i32
      %dma_wait3A_740 = tpu.memref_slice %arg4[%add3A_731, %dma_wait3A_739] : memref<819200x128xf32, #tpu.memory_space<hbm>> -> memref<128x128xf32, #tpu.memory_space<hbm>>
      %dma_wait3A_741 = arith.constant 0 : i32
      %dma_wait3A_742 = arith.constant 0 : i32
      %dma_wait3A_743 = tpu.memref_slice %arg6[%dma_wait3A_732, %dma_wait3A_741, %dma_wait3A_742] : memref<6x128x128xf32, #tpu.memory_space<vmem>> -> memref<1x128x128xf32, #tpu.memory_space<vmem>>
      %dma_wait3A_744 = tpu.memref_squeeze %dma_wait3A_743 : memref<1x128x128xf32, #tpu.memory_space<vmem>> -> memref<128x128xf32, #tpu.memory_space<vmem>>
      tpu.wait_dma2 semaphore(%arg17 : memref<!tpu.dma_semaphore, #tpu.memory_space<semaphore_mem>>) src(%dma_wait3A_744 : memref<128x128xf32, #tpu.memory_space<vmem>>) dst(%dma_wait3A_740 : memref<128x128xf32, #tpu.memory_space<hbm>>)
      %add3A_745 = arith.constant 3 : i32
      %add3A_746 = arith.addi %add3A_699, %add3A_745 : i32
      %dma_start3A_747 = arith.constant 4 : i32
      %dma_start3A_748 = arith.constant 0 : i32
      %dma_start3A_749 = arith.constant 0 : i32
      %dma_start3A_750 = tpu.memref_slice %arg6[%dma_start3A_747, %dma_start3A_748, %dma_start3A_749] : memref<6x128x128xf32, #tpu.memory_space<vmem>> -> memref<1x128x128xf32, #tpu.memory_space<vmem>>
      %dma_start3A_751 = tpu.memref_squeeze %dma_start3A_750 : memref<1x128x128xf32, #tpu.memory_space<vmem>> -> memref<128x128xf32, #tpu.memory_space<vmem>>
      %dma_start3A_752 = arith.constant 0 : i32
      %dma_start3A_753 = tpu.memref_slice %arg5[%add3A_746, %dma_start3A_752] : memref<200x128xi32, #tpu.memory_space<vmem>> -> memref<1x128xi32, #tpu.memory_space<vmem>>
      %dma_start3A_754 = tpu.memref_squeeze %dma_start3A_753 : memref<1x128xi32, #tpu.memory_space<vmem>> -> memref<128xi32, #tpu.memory_space<vmem>>
      %dma_start3A_755 = arith.constant 0 : i32
      %dma_start3A_756 = arith.constant 0 : i32
      %dma_start3A_757 = tpu.memref_slice %arg3[%dma_start3A_755, %dma_start3A_756] : memref<100000x128xf32, #tpu.memory_space<hbm>> -> memref<100000x128xf32, #tpu.memory_space<hbm>>
      tpu.enqueue_indirect_dma source(%dma_start3A_757 : memref<100000x128xf32, #tpu.memory_space<hbm>>) target(%dma_start3A_751 : memref<128x128xf32, #tpu.memory_space<vmem>>) offsets(%dma_start3A_754 : memref<128xi32, #tpu.memory_space<vmem>>) semaphore(%arg11 : memref<!tpu.dma_semaphore, #tpu.memory_space<semaphore_mem>>)
      %mul3A_758 = arith.constant 6 : i32
      %mul3A_759 = arith.muli %scan3A_438, %mul3A_758 : i32
      %add3A_760 = arith.constant 3 : i32
      %add3A_761 = arith.addi %add3A_760, %mul3A_759 : i32
      %add3A_762 = arith.constant 5 : i32
      %add3A_763 = arith.addi %add3A_761, %add3A_762 : i32
      %dma_wait3A_764 = arith.constant 2 : i32
      %dma_wait3A_765 = arith.constant 0 : i32
      %dma_wait3A_766 = arith.constant 0 : i32
      %dma_wait3A_767 = tpu.memref_slice %arg6[%dma_wait3A_764, %dma_wait3A_765, %dma_wait3A_766] : memref<6x128x128xf32, #tpu.memory_space<vmem>> -> memref<1x128x128xf32, #tpu.memory_space<vmem>>
      %dma_wait3A_768 = tpu.memref_squeeze %dma_wait3A_767 : memref<1x128x128xf32, #tpu.memory_space<vmem>> -> memref<128x128xf32, #tpu.memory_space<vmem>>
      %dma_wait3A_769 = arith.constant 0 : i32
      %dma_wait3A_770 = tpu.memref_slice %arg5[%add3A_763, %dma_wait3A_769] : memref<200x128xi32, #tpu.memory_space<vmem>> -> memref<1x128xi32, #tpu.memory_space<vmem>>
      %dma_wait3A_771 = tpu.memref_squeeze %dma_wait3A_770 : memref<1x128xi32, #tpu.memory_space<vmem>> -> memref<128xi32, #tpu.memory_space<vmem>>
      %dma_wait3A_772 = arith.constant 0 : i32
      %dma_wait3A_773 = arith.constant 0 : i32
      %dma_wait3A_774 = tpu.memref_slice %arg3[%dma_wait3A_772, %dma_wait3A_773] : memref<100000x128xf32, #tpu.memory_space<hbm>> -> memref<100000x128xf32, #tpu.memory_space<hbm>>
      tpu.wait_indirect_dma semaphore(%arg9 : memref<!tpu.dma_semaphore, #tpu.memory_space<semaphore_mem>>) src(%dma_wait3A_774 : memref<100000x128xf32, #tpu.memory_space<hbm>>) dst(%dma_wait3A_768 : memref<128x128xf32, #tpu.memory_space<vmem>>)
      %mul3A_775 = arith.constant 128 : i32
      %mul3A_776 = arith.muli %add3A_763, %mul3A_775 : i32
      %add3A_777 = arith.addi %mul3A_2, %mul3A_776 : i32
      %dma_start3A_778 = arith.constant 2 : i32
      %dma_start3A_779 = arith.constant 0 : i32
      %dma_start3A_780 = arith.constant 0 : i32
      %dma_start3A_781 = tpu.memref_slice %arg6[%dma_start3A_778, %dma_start3A_779, %dma_start3A_780] : memref<6x128x128xf32, #tpu.memory_space<vmem>> -> memref<1x128x128xf32, #tpu.memory_space<vmem>>
      %dma_start3A_782 = tpu.memref_squeeze %dma_start3A_781 : memref<1x128x128xf32, #tpu.memory_space<vmem>> -> memref<128x128xf32, #tpu.memory_space<vmem>>
      %dma_start3A_783 = arith.constant 0 : i32
      %dma_start3A_784 = tpu.memref_slice %arg4[%add3A_777, %dma_start3A_783] : memref<819200x128xf32, #tpu.memory_space<hbm>> -> memref<128x128xf32, #tpu.memory_space<hbm>>
      %dma_start3A_785 = arith.constant 0 : i32
      %dma_start3A_786 = tpu.memref_slice %arg4[%add3A_777, %dma_start3A_785] : memref<819200x128xf32, #tpu.memory_space<hbm>> -> memref<128x128xf32, #tpu.memory_space<hbm>>
      %dma_start3A_787 = arith.constant 0 : i32
      %dma_start3A_788 = arith.constant 0 : i32
      %dma_start3A_789 = tpu.memref_slice %arg6[%dma_start3A_778, %dma_start3A_787, %dma_start3A_788] : memref<6x128x128xf32, #tpu.memory_space<vmem>> -> memref<1x128x128xf32, #tpu.memory_space<vmem>>
      %dma_start3A_790 = tpu.memref_squeeze %dma_start3A_789 : memref<1x128x128xf32, #tpu.memory_space<vmem>> -> memref<128x128xf32, #tpu.memory_space<vmem>>
      tpu.enqueue_dma source(%dma_start3A_790 : memref<128x128xf32, #tpu.memory_space<vmem>>) target(%dma_start3A_786 : memref<128x128xf32, #tpu.memory_space<hbm>>) target_semaphore(%arg15 : memref<!tpu.dma_semaphore, #tpu.memory_space<semaphore_mem>>)
      %sub3A_791 = arith.constant 3 : i32
      %sub3A_792 = arith.subi %add3A_763, %sub3A_791 : i32
      %mul3A_793 = arith.constant 128 : i32
      %mul3A_794 = arith.muli %sub3A_792, %mul3A_793 : i32
      %add3A_795 = arith.addi %mul3A_2, %mul3A_794 : i32
      %dma_wait3A_796 = arith.constant 5 : i32
      %dma_wait3A_797 = arith.constant 0 : i32
      %dma_wait3A_798 = arith.constant 0 : i32
      %dma_wait3A_799 = tpu.memref_slice %arg6[%dma_wait3A_796, %dma_wait3A_797, %dma_wait3A_798] : memref<6x128x128xf32, #tpu.memory_space<vmem>> -> memref<1x128x128xf32, #tpu.memory_space<vmem>>
      %dma_wait3A_800 = tpu.memref_squeeze %dma_wait3A_799 : memref<1x128x128xf32, #tpu.memory_space<vmem>> -> memref<128x128xf32, #tpu.memory_space<vmem>>
      %dma_wait3A_801 = arith.constant 0 : i32
      %dma_wait3A_802 = tpu.memref_slice %arg4[%add3A_795, %dma_wait3A_801] : memref<819200x128xf32, #tpu.memory_space<hbm>> -> memref<128x128xf32, #tpu.memory_space<hbm>>
      %dma_wait3A_803 = arith.constant 0 : i32
      %dma_wait3A_804 = tpu.memref_slice %arg4[%add3A_795, %dma_wait3A_803] : memref<819200x128xf32, #tpu.memory_space<hbm>> -> memref<128x128xf32, #tpu.memory_space<hbm>>
      %dma_wait3A_805 = arith.constant 0 : i32
      %dma_wait3A_806 = arith.constant 0 : i32
      %dma_wait3A_807 = tpu.memref_slice %arg6[%dma_wait3A_796, %dma_wait3A_805, %dma_wait3A_806] : memref<6x128x128xf32, #tpu.memory_space<vmem>> -> memref<1x128x128xf32, #tpu.memory_space<vmem>>
      %dma_wait3A_808 = tpu.memref_squeeze %dma_wait3A_807 : memref<1x128x128xf32, #tpu.memory_space<vmem>> -> memref<128x128xf32, #tpu.memory_space<vmem>>
      tpu.wait_dma2 semaphore(%arg18 : memref<!tpu.dma_semaphore, #tpu.memory_space<semaphore_mem>>) src(%dma_wait3A_808 : memref<128x128xf32, #tpu.memory_space<vmem>>) dst(%dma_wait3A_804 : memref<128x128xf32, #tpu.memory_space<hbm>>)
      %add3A_809 = arith.constant 3 : i32
      %add3A_810 = arith.addi %add3A_763, %add3A_809 : i32
      %dma_start3A_811 = arith.constant 5 : i32
      %dma_start3A_812 = arith.constant 0 : i32
      %dma_start3A_813 = arith.constant 0 : i32
      %dma_start3A_814 = tpu.memref_slice %arg6[%dma_start3A_811, %dma_start3A_812, %dma_start3A_813] : memref<6x128x128xf32, #tpu.memory_space<vmem>> -> memref<1x128x128xf32, #tpu.memory_space<vmem>>
      %dma_start3A_815 = tpu.memref_squeeze %dma_start3A_814 : memref<1x128x128xf32, #tpu.memory_space<vmem>> -> memref<128x128xf32, #tpu.memory_space<vmem>>
      %dma_start3A_816 = arith.constant 0 : i32
      %dma_start3A_817 = tpu.memref_slice %arg5[%add3A_810, %dma_start3A_816] : memref<200x128xi32, #tpu.memory_space<vmem>> -> memref<1x128xi32, #tpu.memory_space<vmem>>
      %dma_start3A_818 = tpu.memref_squeeze %dma_start3A_817 : memref<1x128xi32, #tpu.memory_space<vmem>> -> memref<128xi32, #tpu.memory_space<vmem>>
      %dma_start3A_819 = arith.constant 0 : i32
      %dma_start3A_820 = arith.constant 0 : i32
      %dma_start3A_821 = tpu.memref_slice %arg3[%dma_start3A_819, %dma_start3A_820] : memref<100000x128xf32, #tpu.memory_space<hbm>> -> memref<100000x128xf32, #tpu.memory_space<hbm>>
      tpu.enqueue_indirect_dma source(%dma_start3A_821 : memref<100000x128xf32, #tpu.memory_space<hbm>>) target(%dma_start3A_815 : memref<128x128xf32, #tpu.memory_space<vmem>>) offsets(%dma_start3A_818 : memref<128xi32, #tpu.memory_space<vmem>>) semaphore(%arg12 : memref<!tpu.dma_semaphore, #tpu.memory_space<semaphore_mem>>)
    }
    %scan3A_158 = arith.constant 32 : i32
    %dma_wait3A_159 = arith.constant 195 : i32
    %dma_wait3A_160 = arith.constant 3 : i32
    %dma_wait3A_161 = arith.constant 0 : i32
    %dma_wait3A_162 = arith.constant 0 : i32
    %dma_wait3A_163 = tpu.memref_slice %arg6[%dma_wait3A_160, %dma_wait3A_161, %dma_wait3A_162] : memref<6x128x128xf32, #tpu.memory_space<vmem>> -> memref<1x128x128xf32, #tpu.memory_space<vmem>>
    %dma_wait3A_164 = tpu.memref_squeeze %dma_wait3A_163 : memref<1x128x128xf32, #tpu.memory_space<vmem>> -> memref<128x128xf32, #tpu.memory_space<vmem>>
    %dma_wait3A_165 = arith.constant 0 : i32
    %dma_wait3A_166 = tpu.memref_slice %arg5[%dma_wait3A_159, %dma_wait3A_165] : memref<200x128xi32, #tpu.memory_space<vmem>> -> memref<1x128xi32, #tpu.memory_space<vmem>>
    %dma_wait3A_167 = tpu.memref_squeeze %dma_wait3A_166 : memref<1x128xi32, #tpu.memory_space<vmem>> -> memref<128xi32, #tpu.memory_space<vmem>>
    %dma_wait3A_168 = arith.constant 0 : i32
    %dma_wait3A_169 = arith.constant 0 : i32
    %dma_wait3A_170 = tpu.memref_slice %arg3[%dma_wait3A_168, %dma_wait3A_169] : memref<100000x128xf32, #tpu.memory_space<hbm>> -> memref<100000x128xf32, #tpu.memory_space<hbm>>
    tpu.wait_indirect_dma semaphore(%arg10 : memref<!tpu.dma_semaphore, #tpu.memory_space<semaphore_mem>>) src(%dma_wait3A_170 : memref<100000x128xf32, #tpu.memory_space<hbm>>) dst(%dma_wait3A_164 : memref<128x128xf32, #tpu.memory_space<vmem>>)
    %add3A_171 = arith.constant 24960 : i32
    %add3A_172 = arith.addi %mul3A_2, %add3A_171 : i32
    %dma_start3A_173 = arith.constant 3 : i32
    %dma_start3A_174 = arith.constant 0 : i32
    %dma_start3A_175 = arith.constant 0 : i32
    %dma_start3A_176 = tpu.memref_slice %arg6[%dma_start3A_173, %dma_start3A_174, %dma_start3A_175] : memref<6x128x128xf32, #tpu.memory_space<vmem>> -> memref<1x128x128xf32, #tpu.memory_space<vmem>>
    %dma_start3A_177 = tpu.memref_squeeze %dma_start3A_176 : memref<1x128x128xf32, #tpu.memory_space<vmem>> -> memref<128x128xf32, #tpu.memory_space<vmem>>
    %dma_start3A_178 = arith.constant 0 : i32
    %dma_start3A_179 = tpu.memref_slice %arg4[%add3A_172, %dma_start3A_178] : memref<819200x128xf32, #tpu.memory_space<hbm>> -> memref<128x128xf32, #tpu.memory_space<hbm>>
    %dma_start3A_180 = arith.constant 0 : i32
    %dma_start3A_181 = tpu.memref_slice %arg4[%add3A_172, %dma_start3A_180] : memref<819200x128xf32, #tpu.memory_space<hbm>> -> memref<128x128xf32, #tpu.memory_space<hbm>>
    %dma_start3A_182 = arith.constant 0 : i32
    %dma_start3A_183 = arith.constant 0 : i32
    %dma_start3A_184 = tpu.memref_slice %arg6[%dma_start3A_173, %dma_start3A_182, %dma_start3A_183] : memref<6x128x128xf32, #tpu.memory_space<vmem>> -> memref<1x128x128xf32, #tpu.memory_space<vmem>>
    %dma_start3A_185 = tpu.memref_squeeze %dma_start3A_184 : memref<1x128x128xf32, #tpu.memory_space<vmem>> -> memref<128x128xf32, #tpu.memory_space<vmem>>
    tpu.enqueue_dma source(%dma_start3A_185 : memref<128x128xf32, #tpu.memory_space<vmem>>) target(%dma_start3A_181 : memref<128x128xf32, #tpu.memory_space<hbm>>) target_semaphore(%arg16 : memref<!tpu.dma_semaphore, #tpu.memory_space<semaphore_mem>>)
    %add3A_186 = arith.constant 24576 : i32
    %add3A_187 = arith.addi %mul3A_2, %add3A_186 : i32
    %dma_wait3A_188 = arith.constant 0 : i32
    %dma_wait3A_189 = arith.constant 0 : i32
    %dma_wait3A_190 = arith.constant 0 : i32
    %dma_wait3A_191 = tpu.memref_slice %arg6[%dma_wait3A_188, %dma_wait3A_189, %dma_wait3A_190] : memref<6x128x128xf32, #tpu.memory_space<vmem>> -> memref<1x128x128xf32, #tpu.memory_space<vmem>>
    %dma_wait3A_192 = tpu.memref_squeeze %dma_wait3A_191 : memref<1x128x128xf32, #tpu.memory_space<vmem>> -> memref<128x128xf32, #tpu.memory_space<vmem>>
    %dma_wait3A_193 = arith.constant 0 : i32
    %dma_wait3A_194 = tpu.memref_slice %arg4[%add3A_187, %dma_wait3A_193] : memref<819200x128xf32, #tpu.memory_space<hbm>> -> memref<128x128xf32, #tpu.memory_space<hbm>>
    %dma_wait3A_195 = arith.constant 0 : i32
    %dma_wait3A_196 = tpu.memref_slice %arg4[%add3A_187, %dma_wait3A_195] : memref<819200x128xf32, #tpu.memory_space<hbm>> -> memref<128x128xf32, #tpu.memory_space<hbm>>
    %dma_wait3A_197 = arith.constant 0 : i32
    %dma_wait3A_198 = arith.constant 0 : i32
    %dma_wait3A_199 = tpu.memref_slice %arg6[%dma_wait3A_188, %dma_wait3A_197, %dma_wait3A_198] : memref<6x128x128xf32, #tpu.memory_space<vmem>> -> memref<1x128x128xf32, #tpu.memory_space<vmem>>
    %dma_wait3A_200 = tpu.memref_squeeze %dma_wait3A_199 : memref<1x128x128xf32, #tpu.memory_space<vmem>> -> memref<128x128xf32, #tpu.memory_space<vmem>>
    tpu.wait_dma2 semaphore(%arg13 : memref<!tpu.dma_semaphore, #tpu.memory_space<semaphore_mem>>) src(%dma_wait3A_200 : memref<128x128xf32, #tpu.memory_space<vmem>>) dst(%dma_wait3A_196 : memref<128x128xf32, #tpu.memory_space<hbm>>)
    %dma_start3A_201 = arith.constant 198 : i32
    %dma_start3A_202 = arith.constant 0 : i32
    %dma_start3A_203 = arith.constant 0 : i32
    %dma_start3A_204 = arith.constant 0 : i32
    %dma_start3A_205 = tpu.memref_slice %arg6[%dma_start3A_202, %dma_start3A_203, %dma_start3A_204] : memref<6x128x128xf32, #tpu.memory_space<vmem>> -> memref<1x128x128xf32, #tpu.memory_space<vmem>>
    %dma_start3A_206 = tpu.memref_squeeze %dma_start3A_205 : memref<1x128x128xf32, #tpu.memory_space<vmem>> -> memref<128x128xf32, #tpu.memory_space<vmem>>
    %dma_start3A_207 = arith.constant 0 : i32
    %dma_start3A_208 = tpu.memref_slice %arg5[%dma_start3A_201, %dma_start3A_207] : memref<200x128xi32, #tpu.memory_space<vmem>> -> memref<1x128xi32, #tpu.memory_space<vmem>>
    %dma_start3A_209 = tpu.memref_squeeze %dma_start3A_208 : memref<1x128xi32, #tpu.memory_space<vmem>> -> memref<128xi32, #tpu.memory_space<vmem>>
    %dma_start3A_210 = arith.constant 0 : i32
    %dma_start3A_211 = arith.constant 0 : i32
    %dma_start3A_212 = tpu.memref_slice %arg3[%dma_start3A_210, %dma_start3A_211] : memref<100000x128xf32, #tpu.memory_space<hbm>> -> memref<100000x128xf32, #tpu.memory_space<hbm>>
    tpu.enqueue_indirect_dma source(%dma_start3A_212 : memref<100000x128xf32, #tpu.memory_space<hbm>>) target(%dma_start3A_206 : memref<128x128xf32, #tpu.memory_space<vmem>>) offsets(%dma_start3A_209 : memref<128xi32, #tpu.memory_space<vmem>>) semaphore(%arg7 : memref<!tpu.dma_semaphore, #tpu.memory_space<semaphore_mem>>)
    %dma_wait3A_213 = arith.constant 196 : i32
    %dma_wait3A_214 = arith.constant 4 : i32
    %dma_wait3A_215 = arith.constant 0 : i32
    %dma_wait3A_216 = arith.constant 0 : i32
    %dma_wait3A_217 = tpu.memref_slice %arg6[%dma_wait3A_214, %dma_wait3A_215, %dma_wait3A_216] : memref<6x128x128xf32, #tpu.memory_space<vmem>> -> memref<1x128x128xf32, #tpu.memory_space<vmem>>
    %dma_wait3A_218 = tpu.memref_squeeze %dma_wait3A_217 : memref<1x128x128xf32, #tpu.memory_space<vmem>> -> memref<128x128xf32, #tpu.memory_space<vmem>>
    %dma_wait3A_219 = arith.constant 0 : i32
    %dma_wait3A_220 = tpu.memref_slice %arg5[%dma_wait3A_213, %dma_wait3A_219] : memref<200x128xi32, #tpu.memory_space<vmem>> -> memref<1x128xi32, #tpu.memory_space<vmem>>
    %dma_wait3A_221 = tpu.memref_squeeze %dma_wait3A_220 : memref<1x128xi32, #tpu.memory_space<vmem>> -> memref<128xi32, #tpu.memory_space<vmem>>
    %dma_wait3A_222 = arith.constant 0 : i32
    %dma_wait3A_223 = arith.constant 0 : i32
    %dma_wait3A_224 = tpu.memref_slice %arg3[%dma_wait3A_222, %dma_wait3A_223] : memref<100000x128xf32, #tpu.memory_space<hbm>> -> memref<100000x128xf32, #tpu.memory_space<hbm>>
    tpu.wait_indirect_dma semaphore(%arg11 : memref<!tpu.dma_semaphore, #tpu.memory_space<semaphore_mem>>) src(%dma_wait3A_224 : memref<100000x128xf32, #tpu.memory_space<hbm>>) dst(%dma_wait3A_218 : memref<128x128xf32, #tpu.memory_space<vmem>>)
    %add3A_225 = arith.constant 25088 : i32
    %add3A_226 = arith.addi %mul3A_2, %add3A_225 : i32
    %dma_start3A_227 = arith.constant 4 : i32
    %dma_start3A_228 = arith.constant 0 : i32
    %dma_start3A_229 = arith.constant 0 : i32
    %dma_start3A_230 = tpu.memref_slice %arg6[%dma_start3A_227, %dma_start3A_228, %dma_start3A_229] : memref<6x128x128xf32, #tpu.memory_space<vmem>> -> memref<1x128x128xf32, #tpu.memory_space<vmem>>
    %dma_start3A_231 = tpu.memref_squeeze %dma_start3A_230 : memref<1x128x128xf32, #tpu.memory_space<vmem>> -> memref<128x128xf32, #tpu.memory_space<vmem>>
    %dma_start3A_232 = arith.constant 0 : i32
    %dma_start3A_233 = tpu.memref_slice %arg4[%add3A_226, %dma_start3A_232] : memref<819200x128xf32, #tpu.memory_space<hbm>> -> memref<128x128xf32, #tpu.memory_space<hbm>>
    %dma_start3A_234 = arith.constant 0 : i32
    %dma_start3A_235 = tpu.memref_slice %arg4[%add3A_226, %dma_start3A_234] : memref<819200x128xf32, #tpu.memory_space<hbm>> -> memref<128x128xf32, #tpu.memory_space<hbm>>
    %dma_start3A_236 = arith.constant 0 : i32
    %dma_start3A_237 = arith.constant 0 : i32
    %dma_start3A_238 = tpu.memref_slice %arg6[%dma_start3A_227, %dma_start3A_236, %dma_start3A_237] : memref<6x128x128xf32, #tpu.memory_space<vmem>> -> memref<1x128x128xf32, #tpu.memory_space<vmem>>
    %dma_start3A_239 = tpu.memref_squeeze %dma_start3A_238 : memref<1x128x128xf32, #tpu.memory_space<vmem>> -> memref<128x128xf32, #tpu.memory_space<vmem>>
    tpu.enqueue_dma source(%dma_start3A_239 : memref<128x128xf32, #tpu.memory_space<vmem>>) target(%dma_start3A_235 : memref<128x128xf32, #tpu.memory_space<hbm>>) target_semaphore(%arg17 : memref<!tpu.dma_semaphore, #tpu.memory_space<semaphore_mem>>)
    %add3A_240 = arith.constant 24704 : i32
    %add3A_241 = arith.addi %mul3A_2, %add3A_240 : i32
    %dma_wait3A_242 = arith.constant 1 : i32
    %dma_wait3A_243 = arith.constant 0 : i32
    %dma_wait3A_244 = arith.constant 0 : i32
    %dma_wait3A_245 = tpu.memref_slice %arg6[%dma_wait3A_242, %dma_wait3A_243, %dma_wait3A_244] : memref<6x128x128xf32, #tpu.memory_space<vmem>> -> memref<1x128x128xf32, #tpu.memory_space<vmem>>
    %dma_wait3A_246 = tpu.memref_squeeze %dma_wait3A_245 : memref<1x128x128xf32, #tpu.memory_space<vmem>> -> memref<128x128xf32, #tpu.memory_space<vmem>>
    %dma_wait3A_247 = arith.constant 0 : i32
    %dma_wait3A_248 = tpu.memref_slice %arg4[%add3A_241, %dma_wait3A_247] : memref<819200x128xf32, #tpu.memory_space<hbm>> -> memref<128x128xf32, #tpu.memory_space<hbm>>
    %dma_wait3A_249 = arith.constant 0 : i32
    %dma_wait3A_250 = tpu.memref_slice %arg4[%add3A_241, %dma_wait3A_249] : memref<819200x128xf32, #tpu.memory_space<hbm>> -> memref<128x128xf32, #tpu.memory_space<hbm>>
    %dma_wait3A_251 = arith.constant 0 : i32
    %dma_wait3A_252 = arith.constant 0 : i32
    %dma_wait3A_253 = tpu.memref_slice %arg6[%dma_wait3A_242, %dma_wait3A_251, %dma_wait3A_252] : memref<6x128x128xf32, #tpu.memory_space<vmem>> -> memref<1x128x128xf32, #tpu.memory_space<vmem>>
    %dma_wait3A_254 = tpu.memref_squeeze %dma_wait3A_253 : memref<1x128x128xf32, #tpu.memory_space<vmem>> -> memref<128x128xf32, #tpu.memory_space<vmem>>
    tpu.wait_dma2 semaphore(%arg14 : memref<!tpu.dma_semaphore, #tpu.memory_space<semaphore_mem>>) src(%dma_wait3A_254 : memref<128x128xf32, #tpu.memory_space<vmem>>) dst(%dma_wait3A_250 : memref<128x128xf32, #tpu.memory_space<hbm>>)
    %dma_start3A_255 = arith.constant 199 : i32
    %dma_start3A_256 = arith.constant 1 : i32
    %dma_start3A_257 = arith.constant 0 : i32
    %dma_start3A_258 = arith.constant 0 : i32
    %dma_start3A_259 = tpu.memref_slice %arg6[%dma_start3A_256, %dma_start3A_257, %dma_start3A_258] : memref<6x128x128xf32, #tpu.memory_space<vmem>> -> memref<1x128x128xf32, #tpu.memory_space<vmem>>
    %dma_start3A_260 = tpu.memref_squeeze %dma_start3A_259 : memref<1x128x128xf32, #tpu.memory_space<vmem>> -> memref<128x128xf32, #tpu.memory_space<vmem>>
    %dma_start3A_261 = arith.constant 0 : i32
    %dma_start3A_262 = tpu.memref_slice %arg5[%dma_start3A_255, %dma_start3A_261] : memref<200x128xi32, #tpu.memory_space<vmem>> -> memref<1x128xi32, #tpu.memory_space<vmem>>
    %dma_start3A_263 = tpu.memref_squeeze %dma_start3A_262 : memref<1x128xi32, #tpu.memory_space<vmem>> -> memref<128xi32, #tpu.memory_space<vmem>>
    %dma_start3A_264 = arith.constant 0 : i32
    %dma_start3A_265 = arith.constant 0 : i32
    %dma_start3A_266 = tpu.memref_slice %arg3[%dma_start3A_264, %dma_start3A_265] : memref<100000x128xf32, #tpu.memory_space<hbm>> -> memref<100000x128xf32, #tpu.memory_space<hbm>>
    tpu.enqueue_indirect_dma source(%dma_start3A_266 : memref<100000x128xf32, #tpu.memory_space<hbm>>) target(%dma_start3A_260 : memref<128x128xf32, #tpu.memory_space<vmem>>) offsets(%dma_start3A_263 : memref<128xi32, #tpu.memory_space<vmem>>) semaphore(%arg8 : memref<!tpu.dma_semaphore, #tpu.memory_space<semaphore_mem>>)
    %dma_wait3A_267 = arith.constant 197 : i32
    %dma_wait3A_268 = arith.constant 5 : i32
    %dma_wait3A_269 = arith.constant 0 : i32
    %dma_wait3A_270 = arith.constant 0 : i32
    %dma_wait3A_271 = tpu.memref_slice %arg6[%dma_wait3A_268, %dma_wait3A_269, %dma_wait3A_270] : memref<6x128x128xf32, #tpu.memory_space<vmem>> -> memref<1x128x128xf32, #tpu.memory_space<vmem>>
    %dma_wait3A_272 = tpu.memref_squeeze %dma_wait3A_271 : memref<1x128x128xf32, #tpu.memory_space<vmem>> -> memref<128x128xf32, #tpu.memory_space<vmem>>
    %dma_wait3A_273 = arith.constant 0 : i32
    %dma_wait3A_274 = tpu.memref_slice %arg5[%dma_wait3A_267, %dma_wait3A_273] : memref<200x128xi32, #tpu.memory_space<vmem>> -> memref<1x128xi32, #tpu.memory_space<vmem>>
    %dma_wait3A_275 = tpu.memref_squeeze %dma_wait3A_274 : memref<1x128xi32, #tpu.memory_space<vmem>> -> memref<128xi32, #tpu.memory_space<vmem>>
    %dma_wait3A_276 = arith.constant 0 : i32
    %dma_wait3A_277 = arith.constant 0 : i32
    %dma_wait3A_278 = tpu.memref_slice %arg3[%dma_wait3A_276, %dma_wait3A_277] : memref<100000x128xf32, #tpu.memory_space<hbm>> -> memref<100000x128xf32, #tpu.memory_space<hbm>>
    tpu.wait_indirect_dma semaphore(%arg12 : memref<!tpu.dma_semaphore, #tpu.memory_space<semaphore_mem>>) src(%dma_wait3A_278 : memref<100000x128xf32, #tpu.memory_space<hbm>>) dst(%dma_wait3A_272 : memref<128x128xf32, #tpu.memory_space<vmem>>)
    %add3A_279 = arith.constant 25216 : i32
    %add3A_280 = arith.addi %mul3A_2, %add3A_279 : i32
    %dma_start3A_281 = arith.constant 5 : i32
    %dma_start3A_282 = arith.constant 0 : i32
    %dma_start3A_283 = arith.constant 0 : i32
    %dma_start3A_284 = tpu.memref_slice %arg6[%dma_start3A_281, %dma_start3A_282, %dma_start3A_283] : memref<6x128x128xf32, #tpu.memory_space<vmem>> -> memref<1x128x128xf32, #tpu.memory_space<vmem>>
    %dma_start3A_285 = tpu.memref_squeeze %dma_start3A_284 : memref<1x128x128xf32, #tpu.memory_space<vmem>> -> memref<128x128xf32, #tpu.memory_space<vmem>>
    %dma_start3A_286 = arith.constant 0 : i32
    %dma_start3A_287 = tpu.memref_slice %arg4[%add3A_280, %dma_start3A_286] : memref<819200x128xf32, #tpu.memory_space<hbm>> -> memref<128x128xf32, #tpu.memory_space<hbm>>
    %dma_start3A_288 = arith.constant 0 : i32
    %dma_start3A_289 = tpu.memref_slice %arg4[%add3A_280, %dma_start3A_288] : memref<819200x128xf32, #tpu.memory_space<hbm>> -> memref<128x128xf32, #tpu.memory_space<hbm>>
    %dma_start3A_290 = arith.constant 0 : i32
    %dma_start3A_291 = arith.constant 0 : i32
    %dma_start3A_292 = tpu.memref_slice %arg6[%dma_start3A_281, %dma_start3A_290, %dma_start3A_291] : memref<6x128x128xf32, #tpu.memory_space<vmem>> -> memref<1x128x128xf32, #tpu.memory_space<vmem>>
    %dma_start3A_293 = tpu.memref_squeeze %dma_start3A_292 : memref<1x128x128xf32, #tpu.memory_space<vmem>> -> memref<128x128xf32, #tpu.memory_space<vmem>>
    tpu.enqueue_dma source(%dma_start3A_293 : memref<128x128xf32, #tpu.memory_space<vmem>>) target(%dma_start3A_289 : memref<128x128xf32, #tpu.memory_space<hbm>>) target_semaphore(%arg18 : memref<!tpu.dma_semaphore, #tpu.memory_space<semaphore_mem>>)
    %dma_wait3A_294 = arith.constant 198 : i32
    %dma_wait3A_295 = arith.constant 0 : i32
    %dma_wait3A_296 = arith.constant 0 : i32
    %dma_wait3A_297 = arith.constant 0 : i32
    %dma_wait3A_298 = tpu.memref_slice %arg6[%dma_wait3A_295, %dma_wait3A_296, %dma_wait3A_297] : memref<6x128x128xf32, #tpu.memory_space<vmem>> -> memref<1x128x128xf32, #tpu.memory_space<vmem>>
    %dma_wait3A_299 = tpu.memref_squeeze %dma_wait3A_298 : memref<1x128x128xf32, #tpu.memory_space<vmem>> -> memref<128x128xf32, #tpu.memory_space<vmem>>
    %dma_wait3A_300 = arith.constant 0 : i32
    %dma_wait3A_301 = tpu.memref_slice %arg5[%dma_wait3A_294, %dma_wait3A_300] : memref<200x128xi32, #tpu.memory_space<vmem>> -> memref<1x128xi32, #tpu.memory_space<vmem>>
    %dma_wait3A_302 = tpu.memref_squeeze %dma_wait3A_301 : memref<1x128xi32, #tpu.memory_space<vmem>> -> memref<128xi32, #tpu.memory_space<vmem>>
    %dma_wait3A_303 = arith.constant 0 : i32
    %dma_wait3A_304 = arith.constant 0 : i32
    %dma_wait3A_305 = tpu.memref_slice %arg3[%dma_wait3A_303, %dma_wait3A_304] : memref<100000x128xf32, #tpu.memory_space<hbm>> -> memref<100000x128xf32, #tpu.memory_space<hbm>>
    tpu.wait_indirect_dma semaphore(%arg7 : memref<!tpu.dma_semaphore, #tpu.memory_space<semaphore_mem>>) src(%dma_wait3A_305 : memref<100000x128xf32, #tpu.memory_space<hbm>>) dst(%dma_wait3A_299 : memref<128x128xf32, #tpu.memory_space<vmem>>)
    %add3A_306 = arith.constant 25344 : i32
    %add3A_307 = arith.addi %mul3A_2, %add3A_306 : i32
    %dma_start3A_308 = arith.constant 0 : i32
    %dma_start3A_309 = arith.constant 0 : i32
    %dma_start3A_310 = arith.constant 0 : i32
    %dma_start3A_311 = tpu.memref_slice %arg6[%dma_start3A_308, %dma_start3A_309, %dma_start3A_310] : memref<6x128x128xf32, #tpu.memory_space<vmem>> -> memref<1x128x128xf32, #tpu.memory_space<vmem>>
    %dma_start3A_312 = tpu.memref_squeeze %dma_start3A_311 : memref<1x128x128xf32, #tpu.memory_space<vmem>> -> memref<128x128xf32, #tpu.memory_space<vmem>>
    %dma_start3A_313 = arith.constant 0 : i32
    %dma_start3A_314 = tpu.memref_slice %arg4[%add3A_307, %dma_start3A_313] : memref<819200x128xf32, #tpu.memory_space<hbm>> -> memref<128x128xf32, #tpu.memory_space<hbm>>
    %dma_start3A_315 = arith.constant 0 : i32
    %dma_start3A_316 = tpu.memref_slice %arg4[%add3A_307, %dma_start3A_315] : memref<819200x128xf32, #tpu.memory_space<hbm>> -> memref<128x128xf32, #tpu.memory_space<hbm>>
    %dma_start3A_317 = arith.constant 0 : i32
    %dma_start3A_318 = arith.constant 0 : i32
    %dma_start3A_319 = tpu.memref_slice %arg6[%dma_start3A_308, %dma_start3A_317, %dma_start3A_318] : memref<6x128x128xf32, #tpu.memory_space<vmem>> -> memref<1x128x128xf32, #tpu.memory_space<vmem>>
    %dma_start3A_320 = tpu.memref_squeeze %dma_start3A_319 : memref<1x128x128xf32, #tpu.memory_space<vmem>> -> memref<128x128xf32, #tpu.memory_space<vmem>>
    tpu.enqueue_dma source(%dma_start3A_320 : memref<128x128xf32, #tpu.memory_space<vmem>>) target(%dma_start3A_316 : memref<128x128xf32, #tpu.memory_space<hbm>>) target_semaphore(%arg13 : memref<!tpu.dma_semaphore, #tpu.memory_space<semaphore_mem>>)
    %dma_wait3A_321 = arith.constant 199 : i32
    %dma_wait3A_322 = arith.constant 1 : i32
    %dma_wait3A_323 = arith.constant 0 : i32
    %dma_wait3A_324 = arith.constant 0 : i32
    %dma_wait3A_325 = tpu.memref_slice %arg6[%dma_wait3A_322, %dma_wait3A_323, %dma_wait3A_324] : memref<6x128x128xf32, #tpu.memory_space<vmem>> -> memref<1x128x128xf32, #tpu.memory_space<vmem>>
    %dma_wait3A_326 = tpu.memref_squeeze %dma_wait3A_325 : memref<1x128x128xf32, #tpu.memory_space<vmem>> -> memref<128x128xf32, #tpu.memory_space<vmem>>
    %dma_wait3A_327 = arith.constant 0 : i32
    %dma_wait3A_328 = tpu.memref_slice %arg5[%dma_wait3A_321, %dma_wait3A_327] : memref<200x128xi32, #tpu.memory_space<vmem>> -> memref<1x128xi32, #tpu.memory_space<vmem>>
    %dma_wait3A_329 = tpu.memref_squeeze %dma_wait3A_328 : memref<1x128xi32, #tpu.memory_space<vmem>> -> memref<128xi32, #tpu.memory_space<vmem>>
    %dma_wait3A_330 = arith.constant 0 : i32
    %dma_wait3A_331 = arith.constant 0 : i32
    %dma_wait3A_332 = tpu.memref_slice %arg3[%dma_wait3A_330, %dma_wait3A_331] : memref<100000x128xf32, #tpu.memory_space<hbm>> -> memref<100000x128xf32, #tpu.memory_space<hbm>>
    tpu.wait_indirect_dma semaphore(%arg8 : memref<!tpu.dma_semaphore, #tpu.memory_space<semaphore_mem>>) src(%dma_wait3A_332 : memref<100000x128xf32, #tpu.memory_space<hbm>>) dst(%dma_wait3A_326 : memref<128x128xf32, #tpu.memory_space<vmem>>)
    %add3A_333 = arith.constant 25472 : i32
    %add3A_334 = arith.addi %mul3A_2, %add3A_333 : i32
    %dma_start3A_335 = arith.constant 1 : i32
    %dma_start3A_336 = arith.constant 0 : i32
    %dma_start3A_337 = arith.constant 0 : i32
    %dma_start3A_338 = tpu.memref_slice %arg6[%dma_start3A_335, %dma_start3A_336, %dma_start3A_337] : memref<6x128x128xf32, #tpu.memory_space<vmem>> -> memref<1x128x128xf32, #tpu.memory_space<vmem>>
    %dma_start3A_339 = tpu.memref_squeeze %dma_start3A_338 : memref<1x128x128xf32, #tpu.memory_space<vmem>> -> memref<128x128xf32, #tpu.memory_space<vmem>>
    %dma_start3A_340 = arith.constant 0 : i32
    %dma_start3A_341 = tpu.memref_slice %arg4[%add3A_334, %dma_start3A_340] : memref<819200x128xf32, #tpu.memory_space<hbm>> -> memref<128x128xf32, #tpu.memory_space<hbm>>
    %dma_start3A_342 = arith.constant 0 : i32
    %dma_start3A_343 = tpu.memref_slice %arg4[%add3A_334, %dma_start3A_342] : memref<819200x128xf32, #tpu.memory_space<hbm>> -> memref<128x128xf32, #tpu.memory_space<hbm>>
    %dma_start3A_344 = arith.constant 0 : i32
    %dma_start3A_345 = arith.constant 0 : i32
    %dma_start3A_346 = tpu.memref_slice %arg6[%dma_start3A_335, %dma_start3A_344, %dma_start3A_345] : memref<6x128x128xf32, #tpu.memory_space<vmem>> -> memref<1x128x128xf32, #tpu.memory_space<vmem>>
    %dma_start3A_347 = tpu.memref_squeeze %dma_start3A_346 : memref<1x128x128xf32, #tpu.memory_space<vmem>> -> memref<128x128xf32, #tpu.memory_space<vmem>>
    tpu.enqueue_dma source(%dma_start3A_347 : memref<128x128xf32, #tpu.memory_space<vmem>>) target(%dma_start3A_343 : memref<128x128xf32, #tpu.memory_space<hbm>>) target_semaphore(%arg14 : memref<!tpu.dma_semaphore, #tpu.memory_space<semaphore_mem>>)
    %add3A_348 = arith.constant 24832 : i32
    %add3A_349 = arith.addi %mul3A_2, %add3A_348 : i32
    %dma_wait3A_350 = arith.constant 2 : i32
    %dma_wait3A_351 = arith.constant 0 : i32
    %dma_wait3A_352 = arith.constant 0 : i32
    %dma_wait3A_353 = tpu.memref_slice %arg6[%dma_wait3A_350, %dma_wait3A_351, %dma_wait3A_352] : memref<6x128x128xf32, #tpu.memory_space<vmem>> -> memref<1x128x128xf32, #tpu.memory_space<vmem>>
    %dma_wait3A_354 = tpu.memref_squeeze %dma_wait3A_353 : memref<1x128x128xf32, #tpu.memory_space<vmem>> -> memref<128x128xf32, #tpu.memory_space<vmem>>
    %dma_wait3A_355 = arith.constant 0 : i32
    %dma_wait3A_356 = tpu.memref_slice %arg4[%add3A_349, %dma_wait3A_355] : memref<819200x128xf32, #tpu.memory_space<hbm>> -> memref<128x128xf32, #tpu.memory_space<hbm>>
    %dma_wait3A_357 = arith.constant 0 : i32
    %dma_wait3A_358 = tpu.memref_slice %arg4[%add3A_349, %dma_wait3A_357] : memref<819200x128xf32, #tpu.memory_space<hbm>> -> memref<128x128xf32, #tpu.memory_space<hbm>>
    %dma_wait3A_359 = arith.constant 0 : i32
    %dma_wait3A_360 = arith.constant 0 : i32
    %dma_wait3A_361 = tpu.memref_slice %arg6[%dma_wait3A_350, %dma_wait3A_359, %dma_wait3A_360] : memref<6x128x128xf32, #tpu.memory_space<vmem>> -> memref<1x128x128xf32, #tpu.memory_space<vmem>>
    %dma_wait3A_362 = tpu.memref_squeeze %dma_wait3A_361 : memref<1x128x128xf32, #tpu.memory_space<vmem>> -> memref<128x128xf32, #tpu.memory_space<vmem>>
    tpu.wait_dma2 semaphore(%arg15 : memref<!tpu.dma_semaphore, #tpu.memory_space<semaphore_mem>>) src(%dma_wait3A_362 : memref<128x128xf32, #tpu.memory_space<vmem>>) dst(%dma_wait3A_358 : memref<128x128xf32, #tpu.memory_space<hbm>>)
    %add3A_363 = arith.constant 24960 : i32
    %add3A_364 = arith.addi %mul3A_2, %add3A_363 : i32
    %dma_wait3A_365 = arith.constant 3 : i32
    %dma_wait3A_366 = arith.constant 0 : i32
    %dma_wait3A_367 = arith.constant 0 : i32
    %dma_wait3A_368 = tpu.memref_slice %arg6[%dma_wait3A_365, %dma_wait3A_366, %dma_wait3A_367] : memref<6x128x128xf32, #tpu.memory_space<vmem>> -> memref<1x128x128xf32, #tpu.memory_space<vmem>>
    %dma_wait3A_369 = tpu.memref_squeeze %dma_wait3A_368 : memref<1x128x128xf32, #tpu.memory_space<vmem>> -> memref<128x128xf32, #tpu.memory_space<vmem>>
    %dma_wait3A_370 = arith.constant 0 : i32
    %dma_wait3A_371 = tpu.memref_slice %arg4[%add3A_364, %dma_wait3A_370] : memref<819200x128xf32, #tpu.memory_space<hbm>> -> memref<128x128xf32, #tpu.memory_space<hbm>>
    %dma_wait3A_372 = arith.constant 0 : i32
    %dma_wait3A_373 = tpu.memref_slice %arg4[%add3A_364, %dma_wait3A_372] : memref<819200x128xf32, #tpu.memory_space<hbm>> -> memref<128x128xf32, #tpu.memory_space<hbm>>
    %dma_wait3A_374 = arith.constant 0 : i32
    %dma_wait3A_375 = arith.constant 0 : i32
    %dma_wait3A_376 = tpu.memref_slice %arg6[%dma_wait3A_365, %dma_wait3A_374, %dma_wait3A_375] : memref<6x128x128xf32, #tpu.memory_space<vmem>> -> memref<1x128x128xf32, #tpu.memory_space<vmem>>
    %dma_wait3A_377 = tpu.memref_squeeze %dma_wait3A_376 : memref<1x128x128xf32, #tpu.memory_space<vmem>> -> memref<128x128xf32, #tpu.memory_space<vmem>>
    tpu.wait_dma2 semaphore(%arg16 : memref<!tpu.dma_semaphore, #tpu.memory_space<semaphore_mem>>) src(%dma_wait3A_377 : memref<128x128xf32, #tpu.memory_space<vmem>>) dst(%dma_wait3A_373 : memref<128x128xf32, #tpu.memory_space<hbm>>)
    %add3A_378 = arith.constant 25088 : i32
    %add3A_379 = arith.addi %mul3A_2, %add3A_378 : i32
    %dma_wait3A_380 = arith.constant 4 : i32
    %dma_wait3A_381 = arith.constant 0 : i32
    %dma_wait3A_382 = arith.constant 0 : i32
    %dma_wait3A_383 = tpu.memref_slice %arg6[%dma_wait3A_380, %dma_wait3A_381, %dma_wait3A_382] : memref<6x128x128xf32, #tpu.memory_space<vmem>> -> memref<1x128x128xf32, #tpu.memory_space<vmem>>
    %dma_wait3A_384 = tpu.memref_squeeze %dma_wait3A_383 : memref<1x128x128xf32, #tpu.memory_space<vmem>> -> memref<128x128xf32, #tpu.memory_space<vmem>>
    %dma_wait3A_385 = arith.constant 0 : i32
    %dma_wait3A_386 = tpu.memref_slice %arg4[%add3A_379, %dma_wait3A_385] : memref<819200x128xf32, #tpu.memory_space<hbm>> -> memref<128x128xf32, #tpu.memory_space<hbm>>
    %dma_wait3A_387 = arith.constant 0 : i32
    %dma_wait3A_388 = tpu.memref_slice %arg4[%add3A_379, %dma_wait3A_387] : memref<819200x128xf32, #tpu.memory_space<hbm>> -> memref<128x128xf32, #tpu.memory_space<hbm>>
    %dma_wait3A_389 = arith.constant 0 : i32
    %dma_wait3A_390 = arith.constant 0 : i32
    %dma_wait3A_391 = tpu.memref_slice %arg6[%dma_wait3A_380, %dma_wait3A_389, %dma_wait3A_390] : memref<6x128x128xf32, #tpu.memory_space<vmem>> -> memref<1x128x128xf32, #tpu.memory_space<vmem>>
    %dma_wait3A_392 = tpu.memref_squeeze %dma_wait3A_391 : memref<1x128x128xf32, #tpu.memory_space<vmem>> -> memref<128x128xf32, #tpu.memory_space<vmem>>
    tpu.wait_dma2 semaphore(%arg17 : memref<!tpu.dma_semaphore, #tpu.memory_space<semaphore_mem>>) src(%dma_wait3A_392 : memref<128x128xf32, #tpu.memory_space<vmem>>) dst(%dma_wait3A_388 : memref<128x128xf32, #tpu.memory_space<hbm>>)
    %add3A_393 = arith.constant 25216 : i32
    %add3A_394 = arith.addi %mul3A_2, %add3A_393 : i32
    %dma_wait3A_395 = arith.constant 5 : i32
    %dma_wait3A_396 = arith.constant 0 : i32
    %dma_wait3A_397 = arith.constant 0 : i32
    %dma_wait3A_398 = tpu.memref_slice %arg6[%dma_wait3A_395, %dma_wait3A_396, %dma_wait3A_397] : memref<6x128x128xf32, #tpu.memory_space<vmem>> -> memref<1x128x128xf32, #tpu.memory_space<vmem>>
    %dma_wait3A_399 = tpu.memref_squeeze %dma_wait3A_398 : memref<1x128x128xf32, #tpu.memory_space<vmem>> -> memref<128x128xf32, #tpu.memory_space<vmem>>
    %dma_wait3A_400 = arith.constant 0 : i32
    %dma_wait3A_401 = tpu.memref_slice %arg4[%add3A_394, %dma_wait3A_400] : memref<819200x128xf32, #tpu.memory_space<hbm>> -> memref<128x128xf32, #tpu.memory_space<hbm>>
    %dma_wait3A_402 = arith.constant 0 : i32
    %dma_wait3A_403 = tpu.memref_slice %arg4[%add3A_394, %dma_wait3A_402] : memref<819200x128xf32, #tpu.memory_space<hbm>> -> memref<128x128xf32, #tpu.memory_space<hbm>>
    %dma_wait3A_404 = arith.constant 0 : i32
    %dma_wait3A_405 = arith.constant 0 : i32
    %dma_wait3A_406 = tpu.memref_slice %arg6[%dma_wait3A_395, %dma_wait3A_404, %dma_wait3A_405] : memref<6x128x128xf32, #tpu.memory_space<vmem>> -> memref<1x128x128xf32, #tpu.memory_space<vmem>>
    %dma_wait3A_407 = tpu.memref_squeeze %dma_wait3A_406 : memref<1x128x128xf32, #tpu.memory_space<vmem>> -> memref<128x128xf32, #tpu.memory_space<vmem>>
    tpu.wait_dma2 semaphore(%arg18 : memref<!tpu.dma_semaphore, #tpu.memory_space<semaphore_mem>>) src(%dma_wait3A_407 : memref<128x128xf32, #tpu.memory_space<vmem>>) dst(%dma_wait3A_403 : memref<128x128xf32, #tpu.memory_space<hbm>>)
    %add3A_408 = arith.constant 25344 : i32
    %add3A_409 = arith.addi %mul3A_2, %add3A_408 : i32
    %dma_wait3A_410 = arith.constant 0 : i32
    %dma_wait3A_411 = arith.constant 0 : i32
    %dma_wait3A_412 = arith.constant 0 : i32
    %dma_wait3A_413 = tpu.memref_slice %arg6[%dma_wait3A_410, %dma_wait3A_411, %dma_wait3A_412] : memref<6x128x128xf32, #tpu.memory_space<vmem>> -> memref<1x128x128xf32, #tpu.memory_space<vmem>>
    %dma_wait3A_414 = tpu.memref_squeeze %dma_wait3A_413 : memref<1x128x128xf32, #tpu.memory_space<vmem>> -> memref<128x128xf32, #tpu.memory_space<vmem>>
    %dma_wait3A_415 = arith.constant 0 : i32
    %dma_wait3A_416 = tpu.memref_slice %arg4[%add3A_409, %dma_wait3A_415] : memref<819200x128xf32, #tpu.memory_space<hbm>> -> memref<128x128xf32, #tpu.memory_space<hbm>>
    %dma_wait3A_417 = arith.constant 0 : i32
    %dma_wait3A_418 = tpu.memref_slice %arg4[%add3A_409, %dma_wait3A_417] : memref<819200x128xf32, #tpu.memory_space<hbm>> -> memref<128x128xf32, #tpu.memory_space<hbm>>
    %dma_wait3A_419 = arith.constant 0 : i32
    %dma_wait3A_420 = arith.constant 0 : i32
    %dma_wait3A_421 = tpu.memref_slice %arg6[%dma_wait3A_410, %dma_wait3A_419, %dma_wait3A_420] : memref<6x128x128xf32, #tpu.memory_space<vmem>> -> memref<1x128x128xf32, #tpu.memory_space<vmem>>
    %dma_wait3A_422 = tpu.memref_squeeze %dma_wait3A_421 : memref<1x128x128xf32, #tpu.memory_space<vmem>> -> memref<128x128xf32, #tpu.memory_space<vmem>>
    tpu.wait_dma2 semaphore(%arg13 : memref<!tpu.dma_semaphore, #tpu.memory_space<semaphore_mem>>) src(%dma_wait3A_422 : memref<128x128xf32, #tpu.memory_space<vmem>>) dst(%dma_wait3A_418 : memref<128x128xf32, #tpu.memory_space<hbm>>)
    %add3A_423 = arith.constant 25472 : i32
    %add3A_424 = arith.addi %mul3A_2, %add3A_423 : i32
    %dma_wait3A_425 = arith.constant 1 : i32
    %dma_wait3A_426 = arith.constant 0 : i32
    %dma_wait3A_427 = arith.constant 0 : i32
    %dma_wait3A_428 = tpu.memref_slice %arg6[%dma_wait3A_425, %dma_wait3A_426, %dma_wait3A_427] : memref<6x128x128xf32, #tpu.memory_space<vmem>> -> memref<1x128x128xf32, #tpu.memory_space<vmem>>
    %dma_wait3A_429 = tpu.memref_squeeze %dma_wait3A_428 : memref<1x128x128xf32, #tpu.memory_space<vmem>> -> memref<128x128xf32, #tpu.memory_space<vmem>>
    %dma_wait3A_430 = arith.constant 0 : i32
    %dma_wait3A_431 = tpu.memref_slice %arg4[%add3A_424, %dma_wait3A_430] : memref<819200x128xf32, #tpu.memory_space<hbm>> -> memref<128x128xf32, #tpu.memory_space<hbm>>
    %dma_wait3A_432 = arith.constant 0 : i32
    %dma_wait3A_433 = tpu.memref_slice %arg4[%add3A_424, %dma_wait3A_432] : memref<819200x128xf32, #tpu.memory_space<hbm>> -> memref<128x128xf32, #tpu.memory_space<hbm>>
    %dma_wait3A_434 = arith.constant 0 : i32
    %dma_wait3A_435 = arith.constant 0 : i32
    %dma_wait3A_436 = tpu.memref_slice %arg6[%dma_wait3A_425, %dma_wait3A_434, %dma_wait3A_435] : memref<6x128x128xf32, #tpu.memory_space<vmem>> -> memref<1x128x128xf32, #tpu.memory_space<vmem>>
    %dma_wait3A_437 = tpu.memref_squeeze %dma_wait3A_436 : memref<1x128x128xf32, #tpu.memory_space<vmem>> -> memref<128x128xf32, #tpu.memory_space<vmem>>
    tpu.wait_dma2 semaphore(%arg14 : memref<!tpu.dma_semaphore, #tpu.memory_space<semaphore_mem>>) src(%dma_wait3A_437 : memref<128x128xf32, #tpu.memory_space<vmem>>) dst(%dma_wait3A_433 : memref<128x128xf32, #tpu.memory_space<hbm>>)
    return
  }
}

</mosaic_0001>

<sc_bundles>
// kernel: kernel.3.cloned.1.call-start
scs
__scs_entry_jumppad:
0x0: {  	(pc) =	sbr.rel $0x88, $3  }
0x1: {  	(tag) =	ssettag $0x0;
	lr =	simm.s32 $0x1  }
0x2: {  	[smem:$0x3F9F] =	sst lr;
	_ =	strace $0xD0000000  }
0x3: {  	_ = 	snop  }
0x4: {  	_ = 	snop  }
0x5: {  	_ = 	snop  }
0x6: {  	_ = 	snop  }
0x7: {  	_ = 	snop  }
__scs_overlays_trampoline_lowered:
0x8: {  	[smem:$0x3FAE] =	sst s0  }
0x9: {  	[smem:$0x3FAF] =	sst s1  }
0xa: {  	[smem:$0x3FB0] =	sst s2  }
0xb: {  	[smem:$0x3FB1] =	sst s3  }
0xc: {  	[smem:$0x3FB2] =	sst s4  }
0xd: {  	[smem:$0x3FB3] =	sst s5  }
0xe: {  	[smem:$0x3FB4] =	sst s6  }
0xf: {  	[smem:$0x3FB5] =	sst s7  }
0x10: {  	[smem:$0x3FB6] =	sst s8  }
0x11: {  	[smem:$0x3FB7] =	sst s9;
	s0 =	simm.s32 @!p0 $0x0  }
0x12: {  	s1 =	sld [smem:$0x3F9D];
	s0 =	simm.s32 @p0 $0x1  }
0x13: {  	[smem:$0x3FB8] =	sst s0;
	s0 =	simm.s32 @!p1 $0x0  }
0x14: {  	s2 =	sld [smem:$0x3F9C];
	s0 =	simm.s32 @p1 $0x1  }
0x15: {  	[smem:$0x3FB9] =	sst s0;
	s0 =	simm.s32 @!p2 $0x0  }
0x16: {  	s3 =	sld [smem:$0x3FDB];
	s0 =	simm.s32 @p2 $0x1  }
0x17: {  	s4 =	simm.s32 $0x1BF5;
	[smem:$0x3FBB] =	sst s0  }
0x18: {  	s0 =	sld [smem:$0x3F9E];
	_ =	swait.ge [sflag:s4], $0x0  }
0x19: {  	s7 =	sld [smem:$0x3F9F]  }
0x1a: {  	s8 =	sadd.s32 $0xFFFFE003, lr  }
0x1b: {  	s9 =	sadd.s32 $0xFFFFFEF7, lr;
	s5 =	simm.s32 $0xFFFFFFFF;
	p2 =	slt.u32 s8, $0xFFFFF086  }
0x1c: {  	p1 =	slt.u32 s9, $0xF7A;
	s5 =	simm.s32 @!p2 $0x0  }
0x1d: {  	s5 =	simm.s32 @p1 $0x1;
	p0 =	seq.s32 s7, s2  }
0x1e: {  	s7 =	smul.u32 @!p0 $0xF7A, s2;
	p2 =	seq.s32 @!p0 s5, $0x0  }
0x1f: {  	s9 =	smul.u32 $0xF7A, s1;
	s8 =	simm.s32 @!p0 $0x1BF5;
	p2 =	por !p2, p0  }
0x20: {  	[sflag:s8] =	ssyncset.s32 @!p0 $0xFFFFF086;
	s6 =	sadd.s32 @!p0 s3, s7;
	s7 =	simm.s32 @!p0 $0x108  }
0x21: {  	s3 =	sadd.s32 s3, s9;
	s6 =	sadd.s32 @!p0 $0x88, s6;
	s7 =	simm.s32 @p2 $0x1082  }
0x22: {  	[simem:s7], [sflag:s8] =	dma.local @!p0 [hbm:s6], $0xF7A  }
0x23: {  	s9 =	sor.u32 $0xD0000000, s2;
	s6 =	simm.s32 $0x108;
	_ =	swait.ge @!p0 [sflag:s8], $0x0  }
0x24: {  	s3 =	sadd.s32 $0x88, s3;
	s6 =	simm.s32 @!p1 $0x1082;
	[sflag:s4] =	ssyncset.s32 $0xFFFFF086  }
0x25: {  	[simem:s6], [sflag:s4] =	dma.local [hbm:s3], $0xF7A  }
0x26: {  	[smem:$0x3F9F] =	sst s1;
	(tag) =	ssettag s2;
	_ =	strace s9  }
0x27: {  	s1 =	sld [smem:$0x3FAF]  }
0x28: {  	s2 =	sld [smem:$0x3FB0]  }
0x29: {  	s4 =	sld [smem:$0x3FB2]  }
0x2a: {  	p0 =	seq.s32 s5, $0x0;
	s5 =	sld [smem:$0x3FB3]  }
0x2b: {  	s6 =	sld [smem:$0x3FB4]  }
0x2c: {  	s7 =	sld [smem:$0x3FB5]  }
0x2d: {  	s3 =	simm.s32 $0x108;
	s8 =	sld [smem:$0x3FB6]  }
0x2e: {  	s3 =	simm.s32 @!p0 $0x1082;
	s9 =	sld [smem:$0x3FB7]  }
0x2f: {  	lr =	sadd.s32 s0, s3;
	s0 =	sld [smem:$0x3FAE]  }
0x30: {  	s3 =	sld [smem:$0x3FB1]  }
0x31: {  	[smem:$0x3FBA] =	sst s10  }
0x32: {  	s10 =	sld [smem:$0x3FB8];
	_ =	sdelay $0x3  }
0x33: {  	p0 =	seq.s32 s10, $0x1;
	s10 =	sld [smem:$0x3FBA];
	_ =	sdelay $0x3  }
0x34: {  	[smem:$0x3FBA] =	sst s10  }
0x35: {  	s10 =	sld [smem:$0x3FB9];
	_ =	sdelay $0x3  }
0x36: {  	p1 =	seq.s32 s10, $0x1;
	s10 =	sld [smem:$0x3FBA];
	_ =	sdelay $0x3  }
0x37: {  	[smem:$0x3FBA] =	sst s10  }
0x38: {  	s10 =	sld [smem:$0x3FBB]  }
0x39: {  	_ = 	snop;
	(pc) =	sbr.ind lr, $3  }
0x3a: {  	_ = 	snop  }
0x3b: {  	_ = 	snop  }
0x3c: {  	p2 =	seq.s32 s10, $0x1;
	s10 =	sld [smem:$0x3FBA]  }
0x3d: {  	_ =	shalt  }
0x3e: {  	_ =	shalt  }
0x3f: {  	_ =	shalt  }
0x40: {  	_ =	shalt  }
0x41: {  	_ =	shalt  }
0x42: {  	_ =	shalt  }
0x43: {  	_ =	shalt  }
0x44: {  	_ =	shalt  }
0x45: {  	_ =	shalt  }
0x46: {  	_ =	shalt  }
0x47: {  	_ =	shalt  }
0x48: {  	_ =	shalt  }
0x49: {  	_ =	shalt  }
0x4a: {  	_ =	shalt  }
0x4b: {  	_ =	shalt  }
0x4c: {  	_ =	shalt  }
0x4d: {  	_ =	shalt  }
0x4e: {  	_ =	shalt  }
0x4f: {  	_ =	shalt  }
0x50: {  	_ =	shalt  }
0x51: {  	_ =	shalt  }
0x52: {  	_ =	shalt  }
0x53: {  	_ =	shalt  }
0x54: {  	_ =	shalt  }
0x55: {  	_ =	shalt  }
0x56: {  	_ =	shalt  }
0x57: {  	_ =	shalt  }
0x58: {  	_ =	shalt  }
0x59: {  	_ =	shalt  }
0x5a: {  	_ =	shalt  }
0x5b: {  	_ =	shalt  }
0x5c: {  	_ =	shalt  }
0x5d: {  	_ =	shalt  }
0x5e: {  	_ =	shalt  }
0x5f: {  	_ =	shalt  }
0x60: {  	_ =	shalt  }
0x61: {  	_ =	shalt  }
0x62: {  	_ =	shalt  }
0x63: {  	_ =	shalt  }
0x64: {  	_ =	shalt  }
0x65: {  	_ =	shalt  }
0x66: {  	_ =	shalt  }
0x67: {  	_ =	shalt  }
0x68: {  	_ =	shalt  }
0x69: {  	_ =	shalt  }
0x6a: {  	_ =	shalt  }
0x6b: {  	_ =	shalt  }
0x6c: {  	_ =	shalt  }
0x6d: {  	_ =	shalt  }
0x6e: {  	_ =	shalt  }
0x6f: {  	_ =	shalt  }
0x70: {  	_ =	shalt  }
0x71: {  	_ =	shalt  }
0x72: {  	_ =	shalt  }
0x73: {  	_ =	shalt  }
0x74: {  	_ =	shalt  }
0x75: {  	_ =	shalt  }
0x76: {  	_ =	shalt  }
0x77: {  	_ =	shalt  }
0x78: {  	_ =	shalt  }
0x79: {  	_ =	shalt  }
0x7a: {  	_ =	shalt  }
0x7b: {  	_ =	shalt  }
0x7c: {  	_ =	shalt  }
0x7d: {  	_ =	shalt  }
0x7e: {  	_ =	shalt  }
0x7f: {  	_ =	shalt  }
0x80: {  	_ =	shalt  }
0x81: {  	_ =	shalt  }
0x82: {  	_ =	shalt  }
0x83: {  	_ =	shalt  }
0x84: {  	_ =	shalt  }
0x85: {  	_ =	shalt  }
0x86: {  	_ =	shalt  }
0x87: {  	_ =	shalt  }
.Lfunc_end0:
.L_simem_size_0:
called_computation_lowered:
.L_overlay_start_0:
0x88: {  	s2 =	sld [smem:$0x3FD9]  }
0x89: {  	s3 =	sld [smem:$0x3FFE];
	_ =	sdelay $0x1  }
0x8a: {  	s1 =	srdreg.scid  }
0x8b: {  	s0 =	sand.u32 $0x1, s1  }
0x8c: {  	s17 =	sshll.u32 s0, $0xA;
	s2 =	sadd.s32 s3, s2  }
0x8d: {  	s2 =	sadd.s32 s2, s17  }
0x8e: {  	[smem:$0x3FC6] =	sst s2  }
0x8f: {  	_ = 	snop  }
0x90: {  	s2 =	sld [smem:$0x3FC8]  }
0x91: {  	s18 =	sld [smem:$0x3FD0];
	(tm) =	ssettm $0x1  }
0x92: {  	s4 =	sld [smem:$0x3FFB];
	_ =	sdelay $0x3  }
0x93: {  	_ =	strace s4  }
0x94: {  	s4 =	sld [smem:$0x3FFC];
	_ =	sdelay $0x3  }
0x95: {  	_ =	strace s4  }
0x96: {  	s4 =	sld [smem:$0x3FFD];
	_ =	sdelay $0x3  }
0x97: {  	_ =	strace s4  }
0x98: {  	_ =	strace $0x8FFFFFFF  }
0x99: {  	s19 =	sld [smem:$0x3FDB];
	_ =	sdelay $0x1  }
0x9a: {  	s5 =	simm.s32 $_scs_section_size  }
0x9b: {  	s6 =	simm.s32 $_size__tile_overlayer_lowered;
	s7 =	simm.s32 $_tile_overlayer_lowered  }
0x9c: {  	s22 =	simm.s32 $0x1BFF;
	s21 =	sshll.u32 s7, $0x1;
	s4 =	sadd.s32 s5, s19  }
0x9d: {  	s8 =	simm.s32 $0x0;
	s20 =	sshll.u32 s6, $0x1;
	s6 =	sadd.s32 s21, s4  }
0x9e: {  	[timem:s8], [sflag:s22] =	dma.local [hbm:s6], s20  }
0x9f: {  	_ =	swait.ge [sflag:s22], s20  }
0xa0: {  	s5 =	ssub.s32 $0x0, s20;
	[sflag:s22] =	ssyncset.done $0x0  }
0xa1: {  	[sflag:s22] =	ssyncadd.s32 s5;
	_ =	sdelay $0x1  }
0xa2: {  	s23 =	simm.s32 $0x1B8B  }
0xa3: {  	_ =	swait.ge [sflag:s23], $0x1  }
0xa4: {  	[sflag:s23] =	ssyncset.done $0x0  }
0xa5: {  	s25 =	simm.s32 $0x1B8E;
	s24 =	sld [smem:$0x3FFE];
	[sflag:s23] =	ssyncadd.s32 $0xFFFFFFFF  }
0xa6: {  	s26 =	simm.s32 $execute0_lowered;
	[smem:$0x3FD2] =	sst s25  }
0xa7: {  	s6 =	sshll.u32 s26, $0x1;
	_ =	strace $0x80000046;
	[dreg:$0x1] =	wrdreg $0xFFFFFFFF  }
0xa8: {  	s28 =	simm.s32 $_size_execute0_lowered;
	s4 =	sadd.s32 s4, s6;
	[dreg:$0x0] =	wrdreg $0x0  }
0xa9: {  	s6 =	sshll.u32 s28, $0x1;
	[dreg:$0x2] =	wrdreg s4  }
0xaa: {  	[dreg:$0x3] =	wrdreg s6  }
0xab: {  	[dreg:$0x4] =	wrdreg $0xC0  }
0xac: {  	_ =	task [dreg:s8], $0x5FFFF  }
0xad: {  	[dreg:$0x1] =	wrdreg $0xFFFFFFFF  }
0xae: {  	[dreg:$0x0] =	wrdreg $0x60  }
0xaf: {  	[dreg:$0x2] =	wrdreg s24  }
0xb0: {  	[dreg:$0x3] =	wrdreg s2  }
0xb1: {  	[dreg:$0x4] =	wrdreg s18  }
0xb2: {  	[dreg:$0x5] =	wrdreg $0x9  }
0xb3: {  	_ =	task.clear_ibuf [dreg:s8], $0x6FFFF;
	_ =	strace $0x90000046  }
0xb4: {  	s29 =	simm.s32 $0x9;
	_ =	strace $0x80000048  }
0xb5: {  	_ =	swait.ge [sflag:s29], $0x1  }
0xb6: {  	[sflag:s29] =	ssyncadd.s32 $0xFFFFFFFF  }
0xb7: {  	_ =	strace $0x90000048  }
0xb8: {  	_ =	sfence  }
0xb9: {  	s30 =	sld [smem:$0x0];
	_ =	sdelay $0x2  }
0xba: {  	s31 =	sshll.u32 s1, $0xD;
	s1 =	sshrl.u32 s1, $0x2  }
0xbb: {  	s3 =	sand.u32 $0x4000, s31;
	s1 =	sadd.s32 s1, s30  }
0xbc: {  	s0 =	sor.u32 s3, s0;
	s1 =	sshll.u32 s1, $0x11  }
0xbd: {  	s0 =	sor.u32 s1, s0  }
0xbe: {  	s0 =	sadd.s32 $0x8F2B, s0  }
0xbf: {  	[sflag:s0] =	ssyncadd.remote.s32 $0x1  }
0xc0: {  	_ =	sfence.sel $0xFFFF  }
0xc1: {  	[dreg:$0x0] =	wrdreg $0xFFFFFFFF;
	(pc) =	sbr.abs _section_cstart, $3  }
0xc2: {  	[dreg:$0x1] =	wrdreg $0xFFFFFFFF  }
0xc3: {  	_ =	task.clear_ibuf [dreg:s8], $0x2FFFF;
	_ =	strace $0x9FFFFFFF  }
0xc4: {  	(tm) =	ssettm $0x7FFFFFFF  }
0xc5: {  	_ =	shalt  }
tec
execute0_lowered:
.L_overlay_start_1:
0x0: {  	(tag) =	ssettag $0x1  }
0x1: {  	s0 =	rddreg [dreg:$0x0]  }
0x2: {  	s2 =	rddreg [dreg:$0x1]  }
0x3: {  	s1 =	srdreg.scid;
	s10 =	stileid.u32  }
0x4: {  	s4 =	rddreg [dreg:$0x2];
	s3 =	simm.s32 $0x0;
	s15 =	simm.s32 $0xD  }
0x5: {  	s16 =	simm.s32 $0x80;
	s17 =	simm.s32 $0x6400;
	s18 =	simm.s32 $0xA400  }
0x6: {  	s1 =	sand.u32 $0x1, s1;
	s5 =	sshll.u32 s10, $0x1;
	s22 =	smul.u32 $0xC8000, s10  }
0x7: {  	s5 =	sor.u32 s1, s5;
	s7 =	ssub.s32 $0x2, s1;
	s1 =	smul.u32 $0x64000, s1  }
0x8: {  	s28 =	simm.s32 $0x3;
	s30 =	simm.s32 $0x1A400;
	s6 =	smul.u32 $0x6400, s5  }
0x9: {  	s31 =	simm.s32 $0x4;
	[smem:$0x7FF] =	sst s3;
	s8 =	smul.u32 $0x64000, s5  }
0xa: {  	s29 =	simm.s32 $0xA;
	_ =	strace $0x80000047;
	s9 =	smul.u32 $0x320000, s5  }
0xb: {  	s19 =	sshrl.u32 s7, $0x1;
	s6 =	sshrl.u32 s6, $0x3;
	s5 =	sadd.s32 s4, s8  }
0xc: {  	s21 =	sshrl.u32 s9, $0x3;
	s0 =	sadd.s32 s6, s0;
	s6 =	ssub.s32 s7, s19  }
0xd: {  	s20 =	sadd.s32 $0x800, s5;
	s8 =	sadd.s32 $0x1000, s5;
	s19 =	simm.s32 $0x8  }
0xe: {  	s7 =	simm.s32 $0x0;
	s0 =	sadd.s32 $0x400, s0;
	[dreg:$0x5] =	wrdreg s20  }
0xf: {  	[dreg:$0x6] =	wrdreg s8;
	s13 =	smax.u32 s6, $0x1;
	s20 =	simm.s32 $0xE400  }
0x10: {  	s6 =	simm.s32 $0xC;
	[dreg:$0x4] =	wrdreg s0;
	s0 =	sadd.s32 s4, s21  }
0x11: {  	s4 =	sadd.s32 s22, s4;
	s21 =	simm.s32 $0x1;
	s23 =	sadd.s32 $0x61800, s0  }
0x12: {  	s22 =	simm.s32 $0x6;
	s24 =	sadd.s32 $0x62000, s0;
	[dreg:$0x7] =	wrdreg s23  }
0x13: {  	s25 =	sadd.s32 $0x62800, s0;
	s26 =	sadd.s32 $0x63000, s0;
	[dreg:$0x8] =	wrdreg s24  }
0x14: {  	s1 =	sadd.s32 s1, s4;
	s12 =	sadd.s32 $0x63800, s0;
	[dreg:$0x9] =	wrdreg s25  }
0x15: {  	s0 =	simm.s32 $0x5;
	s4 =	simm.s32 $0xB;
	[dreg:$0xa] =	wrdreg s26  }
0x16: {  	s14 =	sadd.s32 $0x2000, s1;
	s23 =	simm.s32 $0x12400;
	s24 =	simm.s32 $0x2  }
0x17: {  	s26 =	simm.s32 $0x16400;
	s1 =	simm.s32 $0x7;
	s25 =	simm.s32 $0x9  }
.LBB2_1:
0x18: {  	s8 =	rddreg [dreg:$0x4]  }
0x19: {  	[tilespmem:s3], [sflag:$0xD] =	stream.linear.gather [hbm4b:s8+s3], $0x6400, $0x38;
	[tilespmem:$0x1E400] =	vst v63  }
0x1a: {  	_ =	swait.ge [sflag:s15], $0x6400  }
0x1b: {  	[sflag:s15] =	ssyncset.done $0x0  }
0x1c: {  	[sflag:s15] =	ssyncadd.s32 $0xFFFF9C00  }
0x1d: {  	[tilespmem:s17], [sflag:$0x1] =	stream.indirect.gather [hbm4b:s2+s16], $0x80, s3, s16, $0xb8;
	[tilespmem:$0x1E400] =	vst v63  }
0x1e: {  	_ = 	snop  }
0x1f: {  	[tilespmem:s18], [sflag:$0x2] =	stream.indirect.gather [hbm4b:s2+s16], $0x80, s16, s16, $0xb8;
	[tilespmem:$0x1E400] =	vst v63  }
0x20: {  	s11 =	simm.s32 $0x100  }
0x21: {  	[tilespmem:s20], [sflag:$0x3] =	stream.indirect.gather [hbm4b:s2+s16], $0x80, s11, s16, $0xb8;
	[tilespmem:$0x1E400] =	vst v63  }
0x22: {  	_ =	swait.ge [sflag:s21], $0x4000  }
0x23: {  	[sflag:s21] =	ssyncset.done $0x0  }
0x24: {  	[sflag:s21] =	ssyncadd.s32 $0xFFFFC000  }
0x25: {  	[hbm4b:s5+s3] =	stream.linear.scatter [tilespmem:s17], [sflag:$0x7], $0x4000, $0x38;
	[tilespmem:$0x1E400] =	vst v63  }
0x26: {  	s9 =	simm.s32 $0x180  }
0x27: {  	[tilespmem:s23], [sflag:$0x4] =	stream.indirect.gather [hbm4b:s2+s16], $0x80, s9, s16, $0xb8;
	[tilespmem:$0x1E400] =	vst v63  }
0x28: {  	_ =	swait.ge [sflag:s24], $0x4000  }
0x29: {  	[sflag:s24] =	ssyncset.done $0x0  }
0x2a: {  	s10 =	rddreg [dreg:$0x5];
	[sflag:s24] =	ssyncadd.s32 $0xFFFFC000  }
0x2b: {  	[hbm4b:s10+s3] =	stream.linear.scatter [tilespmem:s18], [sflag:$0x8], $0x4000, $0x38;
	[tilespmem:$0x1E400] =	vst v63  }
0x2c: {  	s11 =	simm.s32 $0x200  }
0x2d: {  	[tilespmem:s26], [sflag:$0x5] =	stream.indirect.gather [hbm4b:s2+s16], $0x80, s11, s16, $0xb8;
	[tilespmem:$0x1E400] =	vst v63  }
0x2e: {  	_ =	swait.ge [sflag:s28], $0x4000  }
0x2f: {  	[sflag:s28] =	ssyncset.done $0x0  }
0x30: {  	s9 =	rddreg [dreg:$0x6];
	[sflag:s28] =	ssyncadd.s32 $0xFFFFC000  }
0x31: {  	[hbm4b:s9+s3] =	stream.linear.scatter [tilespmem:s20], [sflag:$0x9], $0x4000, $0x38;
	[tilespmem:$0x1E400] =	vst v63  }
0x32: {  	s10 =	simm.s32 $0x280  }
0x33: {  	[tilespmem:s30], [sflag:$0x6] =	stream.indirect.gather [hbm4b:s2+s16], $0x80, s10, s16, $0xb8;
	[tilespmem:$0x1E400] =	vst v63  }
0x34: {  	_ =	swait.ge [sflag:s31], $0x4000  }
0x35: {  	[sflag:s31] =	ssyncset.done $0x0  }
0x36: {  	s11 =	sadd.s32 $0xFFFFF800, s14;
	[sflag:s31] =	ssyncadd.s32 $0xFFFFC000  }
0x37: {  	[hbm4b:s11+s3] =	stream.linear.scatter [tilespmem:s23], [sflag:$0xA], $0x4000, $0x38;
	[tilespmem:$0x1E400] =	vst v63  }
0x38: {  	_ =	swait.ge [sflag:s1], $0x4000  }
0x39: {  	[sflag:s1] =	ssyncset.done $0x0  }
0x3a: {  	s9 =	simm.s32 $0x300;
	[sflag:s1] =	ssyncadd.s32 $0xFFFFC000  }
0x3b: {  	[tilespmem:s17], [sflag:$0x1] =	stream.indirect.gather [hbm4b:s2+s16], $0x80, s9, s16, $0xb8;
	[tilespmem:$0x1E400] =	vst v63  }
0x3c: {  	_ =	swait.ge [sflag:s0], $0x4000  }
0x3d: {  	[sflag:s0] =	ssyncset.done $0x0  }
0x3e: {  	[sflag:s0] =	ssyncadd.s32 $0xFFFFC000  }
0x3f: {  	[hbm4b:s14+s3] =	stream.linear.scatter [tilespmem:s26], [sflag:$0xB], $0x4000, $0x38;
	[tilespmem:$0x1E400] =	vst v63  }
0x40: {  	_ =	swait.ge [sflag:s19], $0x4000  }
0x41: {  	[sflag:s19] =	ssyncset.done $0x0  }
0x42: {  	s10 =	simm.s32 $0x380;
	[sflag:s19] =	ssyncadd.s32 $0xFFFFC000  }
0x43: {  	[tilespmem:s18], [sflag:$0x2] =	stream.indirect.gather [hbm4b:s2+s16], $0x80, s10, s16, $0xb8;
	[tilespmem:$0x1E400] =	vst v63  }
0x44: {  	_ =	swait.ge [sflag:s22], $0x4000  }
0x45: {  	[sflag:s22] =	ssyncset.done $0x0  }
0x46: {  	s11 =	sadd.s32 $0x800, s14;
	[sflag:s22] =	ssyncadd.s32 $0xFFFFC000  }
0x47: {  	[hbm4b:s11+s3] =	stream.linear.scatter [tilespmem:s30], [sflag:$0xC], $0x4000, $0x38;
	[tilespmem:$0x1E400] =	vst v63  }
0x48: {  	_ =	swait.ge [sflag:s25], $0x4000  }
0x49: {  	[sflag:s25] =	ssyncset.done $0x0  }
0x4a: {  	s9 =	simm.s32 $0x400;
	[sflag:s25] =	ssyncadd.s32 $0xFFFFC000  }
0x4b: {  	[tilespmem:s20], [sflag:$0x3] =	stream.indirect.gather [hbm4b:s2+s16], $0x80, s9, s16, $0xb8;
	[tilespmem:$0x1E400] =	vst v63  }
0x4c: {  	_ =	swait.ge [sflag:s21], $0x4000  }
0x4d: {  	[sflag:s21] =	ssyncset.done $0x0  }
0x4e: {  	s10 =	sadd.s32 $0x1000, s14;
	[sflag:s21] =	ssyncadd.s32 $0xFFFFC000  }
0x4f: {  	[hbm4b:s10+s3] =	stream.linear.scatter [tilespmem:s17], [sflag:$0x7], $0x4000, $0x38;
	[tilespmem:$0x1E400] =	vst v63  }
0x50: {  	_ =	swait.ge [sflag:s29], $0x4000  }
0x51: {  	[sflag:s29] =	ssyncset.done $0x0  }
0x52: {  	s11 =	simm.s32 $0x480;
	[sflag:s29] =	ssyncadd.s32 $0xFFFFC000  }
0x53: {  	[tilespmem:s23], [sflag:$0x4] =	stream.indirect.gather [hbm4b:s2+s16], $0x80, s11, s16, $0xb8;
	[tilespmem:$0x1E400] =	vst v63  }
0x54: {  	_ =	swait.ge [sflag:s24], $0x4000  }
0x55: {  	[sflag:s24] =	ssyncset.done $0x0  }
0x56: {  	s9 =	sadd.s32 $0x1800, s14;
	[sflag:s24] =	ssyncadd.s32 $0xFFFFC000  }
0x57: {  	[hbm4b:s9+s3] =	stream.linear.scatter [tilespmem:s18], [sflag:$0x8], $0x4000, $0x38;
	[tilespmem:$0x1E400] =	vst v63  }
0x58: {  	_ =	swait.ge [sflag:s4], $0x4000  }
0x59: {  	[sflag:s4] =	ssyncset.done $0x0  }
0x5a: {  	s10 =	simm.s32 $0x500;
	[sflag:s4] =	ssyncadd.s32 $0xFFFFC000  }
0x5b: {  	[tilespmem:s26], [sflag:$0x5] =	stream.indirect.gather [hbm4b:s2+s16], $0x80, s10, s16, $0xb8;
	[tilespmem:$0x1E400] =	vst v63  }
0x5c: {  	_ =	swait.ge [sflag:s28], $0x4000  }
0x5d: {  	[sflag:s28] =	ssyncset.done $0x0  }
0x5e: {  	s11 =	sadd.s32 $0x2000, s14;
	[sflag:s28] =	ssyncadd.s32 $0xFFFFC000  }
0x5f: {  	[hbm4b:s11+s3] =	stream.linear.scatter [tilespmem:s20], [sflag:$0x9], $0x4000, $0x38;
	[tilespmem:$0x1E400] =	vst v63  }
0x60: {  	_ =	swait.ge [sflag:s6], $0x4000  }
0x61: {  	s8 =	simm.s32 $0xC00;
	[sflag:s6] =	ssyncset.done $0x0  }
0x62: {  	s9 =	sadd.s32 $0x3000, s14;
	s10 =	simm.s32 $0x580;
	[sflag:s6] =	ssyncadd.s32 $0xFFFFC000  }
.LBB2_2:
0x63: {  	[tilespmem:s30], [sflag:$0x6] =	stream.indirect.gather [hbm4b:s2+s16], $0x80, s10, s16, $0xb8;
	[tilespmem:$0x1E400] =	vst v63  }
0x64: {  	s10 =	smov.u32 s8  }
0x65: {  	p0 =	sne.s32 s8, $0x17400;
	s8 =	sadd.s32 $0xC00, s8;
	_ =	swait.ge [sflag:s31], $0x4000  }
0x66: {  	[sflag:s31] =	ssyncset.done $0x0  }
0x67: {  	s11 =	sadd.s32 $0xFFFFF800, s9;
	[sflag:s31] =	ssyncadd.s32 $0xFFFFC000  }
0x68: {  	[hbm4b:s11+s3] =	stream.linear.scatter [tilespmem:s23], [sflag:$0xA], $0x4000, $0x38;
	[tilespmem:$0x1E400] =	vst v63  }
0x69: {  	_ =	swait.ge [sflag:s1], $0x4000  }
0x6a: {  	s10 =	sshra.s32 s10, $0x2;
	[sflag:s1] =	ssyncset.done $0x0  }
0x6b: {  	s11 =	sadd.s32 $0x300, s10;
	[sflag:s1] =	ssyncadd.s32 $0xFFFFC000  }
0x6c: {  	[tilespmem:s17], [sflag:$0x1] =	stream.indirect.gather [hbm4b:s2+s16], $0x80, s11, s16, $0xb8;
	[tilespmem:$0x1E400] =	vst v63  }
0x6d: {  	_ =	swait.ge [sflag:s0], $0x4000  }
0x6e: {  	[sflag:s0] =	ssyncset.done $0x0  }
0x6f: {  	[sflag:s0] =	ssyncadd.s32 $0xFFFFC000  }
0x70: {  	[hbm4b:s9+s3] =	stream.linear.scatter [tilespmem:s26], [sflag:$0xB], $0x4000, $0x38;
	[tilespmem:$0x1E400] =	vst v63  }
0x71: {  	_ =	swait.ge [sflag:s19], $0x4000  }
0x72: {  	[sflag:s19] =	ssyncset.done $0x0  }
0x73: {  	s11 =	sadd.s32 $0x380, s10;
	[sflag:s19] =	ssyncadd.s32 $0xFFFFC000  }
0x74: {  	[tilespmem:s18], [sflag:$0x2] =	stream.indirect.gather [hbm4b:s2+s16], $0x80, s11, s16, $0xb8;
	[tilespmem:$0x1E400] =	vst v63  }
0x75: {  	_ =	swait.ge [sflag:s22], $0x4000  }
0x76: {  	[sflag:s22] =	ssyncset.done $0x0  }
0x77: {  	s11 =	sadd.s32 $0x800, s9;
	[sflag:s22] =	ssyncadd.s32 $0xFFFFC000  }
0x78: {  	[hbm4b:s11+s3] =	stream.linear.scatter [tilespmem:s30], [sflag:$0xC], $0x4000, $0x38;
	[tilespmem:$0x1E400] =	vst v63  }
0x79: {  	_ =	swait.ge [sflag:s25], $0x4000  }
0x7a: {  	[sflag:s25] =	ssyncset.done $0x0  }
0x7b: {  	s11 =	sadd.s32 $0x400, s10;
	[sflag:s25] =	ssyncadd.s32 $0xFFFFC000  }
0x7c: {  	[tilespmem:s20], [sflag:$0x3] =	stream.indirect.gather [hbm4b:s2+s16], $0x80, s11, s16, $0xb8;
	[tilespmem:$0x1E400] =	vst v63  }
0x7d: {  	_ =	swait.ge [sflag:s21], $0x4000  }
0x7e: {  	[sflag:s21] =	ssyncset.done $0x0  }
0x7f: {  	s11 =	sadd.s32 $0x1000, s9;
	[sflag:s21] =	ssyncadd.s32 $0xFFFFC000  }
0x80: {  	[hbm4b:s11+s3] =	stream.linear.scatter [tilespmem:s17], [sflag:$0x7], $0x4000, $0x38;
	[tilespmem:$0x1E400] =	vst v63  }
0x81: {  	_ =	swait.ge [sflag:s29], $0x4000  }
0x82: {  	[sflag:s29] =	ssyncset.done $0x0  }
0x83: {  	s11 =	sadd.s32 $0x480, s10;
	[sflag:s29] =	ssyncadd.s32 $0xFFFFC000  }
0x84: {  	[tilespmem:s23], [sflag:$0x4] =	stream.indirect.gather [hbm4b:s2+s16], $0x80, s11, s16, $0xb8;
	[tilespmem:$0x1E400] =	vst v63  }
0x85: {  	_ =	swait.ge [sflag:s24], $0x4000  }
0x86: {  	[sflag:s24] =	ssyncset.done $0x0  }
0x87: {  	s11 =	sadd.s32 $0x1800, s9;
	[sflag:s24] =	ssyncadd.s32 $0xFFFFC000  }
0x88: {  	[hbm4b:s11+s3] =	stream.linear.scatter [tilespmem:s18], [sflag:$0x8], $0x4000, $0x38;
	[tilespmem:$0x1E400] =	vst v63  }
0x89: {  	_ =	swait.ge [sflag:s4], $0x4000  }
0x8a: {  	[sflag:s4] =	ssyncset.done $0x0  }
0x8b: {  	s11 =	sadd.s32 $0x500, s10;
	[sflag:s4] =	ssyncadd.s32 $0xFFFFC000  }
0x8c: {  	[tilespmem:s26], [sflag:$0x5] =	stream.indirect.gather [hbm4b:s2+s16], $0x80, s11, s16, $0xb8;
	[tilespmem:$0x1E400] =	vst v63  }
0x8d: {  	_ =	swait.ge [sflag:s28], $0x4000  }
0x8e: {  	[sflag:s28] =	ssyncset.done $0x0  }
.Ltmp0:
0x8f: {  	s11 =	sadd.s32 $0x2000, s9;
	[sflag:s28] =	ssyncadd.s32 $0xFFFFC000;
	(pc) =	sbr.rel @p0 .LBB2_2-.Ltmp0, $4  }
0x90: {  	[hbm4b:s11+s3] =	stream.linear.scatter [tilespmem:s20], [sflag:$0x9], $0x4000, $0x38;
	[tilespmem:$0x1E400] =	vst v63  }
0x91: {  	_ =	swait.ge [sflag:s6], $0x4000  }
0x92: {  	[sflag:s6] =	ssyncset.done $0x0  }
0x93: {  	s10 =	sadd.s32 $0x580, s10;
	s9 =	sadd.s32 $0x3000, s9;
	[sflag:s6] =	ssyncadd.s32 $0xFFFFC000  }
0x94: {  	[tilespmem:s30], [sflag:$0x6] =	stream.indirect.gather [hbm4b:s2+s16], $0x80, s10, s16, $0xb8;
	[tilespmem:$0x1E400] =	vst v63  }
0x95: {  	_ =	swait.ge [sflag:s31], $0x4000  }
0x96: {  	[sflag:s31] =	ssyncset.done $0x0  }
0x97: {  	s8 =	rddreg [dreg:$0x7];
	[sflag:s31] =	ssyncadd.s32 $0xFFFFC000  }
0x98: {  	[hbm4b:s8+s3] =	stream.linear.scatter [tilespmem:s23], [sflag:$0xA], $0x4000, $0x38;
	[tilespmem:$0x1E400] =	vst v63  }
0x99: {  	_ =	swait.ge [sflag:s1], $0x4000  }
0x9a: {  	[sflag:s1] =	ssyncset.done $0x0  }
0x9b: {  	s10 =	simm.s32 $0x6300;
	[sflag:s1] =	ssyncadd.s32 $0xFFFFC000  }
0x9c: {  	[tilespmem:s17], [sflag:$0x1] =	stream.indirect.gather [hbm4b:s2+s16], $0x80, s10, s16, $0xb8;
	[tilespmem:$0x1E400] =	vst v63  }
0x9d: {  	_ =	swait.ge [sflag:s0], $0x4000  }
0x9e: {  	[sflag:s0] =	ssyncset.done $0x0  }
0x9f: {  	s11 =	rddreg [dreg:$0x8];
	[sflag:s0] =	ssyncadd.s32 $0xFFFFC000  }
0xa0: {  	[hbm4b:s11+s3] =	stream.linear.scatter [tilespmem:s26], [sflag:$0xB], $0x4000, $0x38;
	[tilespmem:$0x1E400] =	vst v63  }
0xa1: {  	_ =	swait.ge [sflag:s19], $0x4000  }
0xa2: {  	[sflag:s19] =	ssyncset.done $0x0  }
0xa3: {  	s9 =	simm.s32 $0x6380;
	[sflag:s19] =	ssyncadd.s32 $0xFFFFC000  }
0xa4: {  	[tilespmem:s18], [sflag:$0x2] =	stream.indirect.gather [hbm4b:s2+s16], $0x80, s9, s16, $0xb8;
	[tilespmem:$0x1E400] =	vst v63  }
0xa5: {  	_ =	swait.ge [sflag:s22], $0x4000  }
0xa6: {  	[sflag:s22] =	ssyncset.done $0x0  }
0xa7: {  	s10 =	rddreg [dreg:$0x9];
	[sflag:s22] =	ssyncadd.s32 $0xFFFFC000  }
0xa8: {  	[hbm4b:s10+s3] =	stream.linear.scatter [tilespmem:s30], [sflag:$0xC], $0x4000, $0x38;
	[tilespmem:$0x1E400] =	vst v63  }
0xa9: {  	_ =	swait.ge [sflag:s21], $0x4000  }
0xaa: {  	[sflag:s21] =	ssyncset.done $0x0  }
0xab: {  	s11 =	rddreg [dreg:$0xa];
	[sflag:s21] =	ssyncadd.s32 $0xFFFFC000  }
0xac: {  	[hbm4b:s11+s3] =	stream.linear.scatter [tilespmem:s17], [sflag:$0x7], $0x4000, $0x38;
	[tilespmem:$0x1E400] =	vst v63  }
0xad: {  	_ =	swait.ge [sflag:s24], $0x4000  }
0xae: {  	[sflag:s24] =	ssyncset.done $0x0  }
0xaf: {  	[sflag:s24] =	ssyncadd.s32 $0xFFFFC000  }
0xb0: {  	[hbm4b:s12+s3] =	stream.linear.scatter [tilespmem:s18], [sflag:$0x8], $0x4000, $0x38;
	[tilespmem:$0x1E400] =	vst v63  }
0xb1: {  	_ =	swait.ge [sflag:s25], $0x4000  }
0xb2: {  	[sflag:s25] =	ssyncset.done $0x0  }
0xb3: {  	[sflag:s25] =	ssyncadd.s32 $0xFFFFC000  }
0xb4: {  	_ =	swait.ge [sflag:s29], $0x4000  }
0xb5: {  	[sflag:s29] =	ssyncset.done $0x0  }
0xb6: {  	[sflag:s29] =	ssyncadd.s32 $0xFFFFC000  }
0xb7: {  	_ =	swait.ge [sflag:s4], $0x4000  }
0xb8: {  	[sflag:s4] =	ssyncset.done $0x0  }
0xb9: {  	[sflag:s4] =	ssyncadd.s32 $0xFFFFC000  }
0xba: {  	_ =	swait.ge [sflag:s6], $0x4000  }
0xbb: {  	[sflag:s6] =	ssyncset.done $0x0  }
0xbc: {  	s7 =	sadd.s32 $0x1, s7;
	[sflag:s6] =	ssyncadd.s32 $0xFFFFC000  }
0xbd: {  	p0 =	sne.s32 s7, s13;
	_ =	swait.ge [sflag:s1], $0x4000  }
.Ltmp1:
0xbe: {  	[sflag:s1] =	ssyncset.done $0x0;
	(pc) =	sbr.rel @p0 .LBB2_1-.Ltmp1, $4  }
0xbf: {  	[sflag:s1] =	ssyncadd.s32 $0xFFFFC000  }
0xc0: {  	_ =	swait.ge [sflag:s19], $0x4000  }
0xc1: {  	[sflag:s19] =	ssyncset.done $0x0  }
0xc2: {  	[sflag:s19] =	ssyncadd.s32 $0xFFFFC000  }
0xc3: {  	_ =	sfence.sel $0x180000  }
0xc4: {  	[bflag:$0x0] =	sbarrier.arrive $0xFFFF  }
0xc5: {  	_ =	strace $0x90000047  }
0xc6: {  	s0 =	stileid.u32;
	[bflag:$0x2] =	sbarrier.arrive $0xFFFF  }
0xc7: {  	p0 =	sne.s32 s0, $0x0;
	s0 =	rddreg [dreg:$0x3]  }
0xc8: {  	s0 =	sadd.s32 @!p0 $0x100000, s0  }
0xc9: {  	[sflag:s0] =	ssyncadd.tile.s32 @!p0 $0x1;
	_ =	shalt  }
.Lfunc_end2:
_tile_overlayer_lowered:
.L_overlay_start_2:
0xca: {  	(tag) =	ssettag $0x2  }
0xcb: {  	s0 =	rddreg [dreg:$0x0];
	s2 =	stileid.u32  }
0xcc: {  	s1 =	rddreg [dreg:$0x1];
	p0 =	sne.s32 s2, $0x0  }
0xcd: {  	s3 =	rddreg [dreg:$0x2];
	[bflag:$0x3] =	sbarrier.arrive $0xFFFF;
	s2 =	simm.s32 @!p0 $0x1C0D  }
0xce: {  	[timem:s3], [sflag:s2] =	dma.local @!p0 [hbm:s0], s1  }
0xcf: {  	s0 =	simm.s32 @!p0 $0xD  }
0xd0: {  	_ =	swait.ge @!p0 [sflag:s0], s1  }
0xd1: {  	s1 =	ssub.s32 @!p0 $0x0, s1;
	[sflag:s0] =	ssyncset.done @!p0 $0x0  }
0xd2: {  	[sflag:s0] =	ssyncadd.s32 @!p0 s1  }
0xd3: {  	[bflag:$0x3] =	sbarrier.arrive $0xFFFF  }
0xd4: {  	_ =	shalt  }

</sc_bundles>
